<compile_context>
chip_gen: v7x
topology: tpu7x:2x2x1
jax: 0.10.2.dev20260603
libtpu: 0.0.44.dev20260713+nightly
codegen_flags: <defaults>
</compile_context>

<pallas_src>
import functools

import jax
import jax.numpy as jnp
from jax import lax
from jax.experimental import pallas as pl
from jax.experimental.pallas import tpu as pltpu
from jax.experimental.pallas import tpu_sc as plsc

B = 1024
L = 200
DIM = 64

NC = 2
NS = 16
NW = NC * NS

BPW = B // NW
C0 = 128
C1 = L - C0
GPB = 2
NG = BPW // GPB


def _fire_gathers(table_hbm, idx_v, b128, b72, sem, g):
    for j in range(GPB):
        lb = g * GPB + j
        pltpu.async_copy(table_hbm.at[idx_v.at[lb, pl.ds(0, C0)]], b128.at[j], sem)
        pltpu.async_copy(table_hbm.at[idx_v.at[lb, pl.ds(C0, C1)]], b72.at[j], sem)


def _drain_gathers(table_hbm, idx_v, b128, b72, sem):
    for j in range(GPB):
        pltpu.make_async_copy(table_hbm.at[idx_v.at[0, pl.ds(0, C0)]], b128.at[j], sem).wait()
        pltpu.make_async_copy(table_hbm.at[idx_v.at[0, pl.ds(C0, C1)]], b72.at[j], sem).wait()


def _fire_writes(out_hbm, b128, b72, sem, base_b, g):
    for j in range(GPB):
        b = base_b + g * GPB + j
        pltpu.async_copy(b128.at[j], out_hbm.at[b, pl.ds(0, C0)], sem)
        pltpu.async_copy(b72.at[j], out_hbm.at[b, pl.ds(C0, C1)], sem)


def _drain_writes(out_hbm, b128, b72, sem):
    for j in range(GPB):
        pltpu.make_async_copy(b128.at[j], out_hbm.at[0, pl.ds(0, C0)], sem).wait()
        pltpu.make_async_copy(b72.at[j], out_hbm.at[0, pl.ds(C0, C1)], sem).wait()


def _emb_body(x_hbm, table_hbm, out_hbm, idx_v, a128, a72, b128, b72,
              gsem_a, gsem_b, wsem_a, wsem_b):
    wid = lax.axis_index("s") * NC + lax.axis_index("c")
    base_b = wid * BPW

    pltpu.sync_copy(x_hbm.at[pl.ds(base_b, BPW)], idx_v)

    _fire_gathers(table_hbm, idx_v, a128, a72, gsem_a, 0)
    _fire_gathers(table_hbm, idx_v, b128, b72, gsem_b, 1)

    def step(tt, carry):
        g_a = 2 * tt
        g_b = g_a + 1
        _drain_gathers(table_hbm, idx_v, a128, a72, gsem_a)
        _fire_writes(out_hbm, a128, a72, wsem_a, base_b, g_a)
        _drain_writes(out_hbm, a128, a72, wsem_a)
        _fire_gathers(table_hbm, idx_v, a128, a72, gsem_a, g_a + 2)
        _drain_gathers(table_hbm, idx_v, b128, b72, gsem_b)
        _fire_writes(out_hbm, b128, b72, wsem_b, base_b, g_b)
        _drain_writes(out_hbm, b128, b72, wsem_b)
        _fire_gathers(table_hbm, idx_v, b128, b72, gsem_b, g_b + 2)
        return carry

    lax.fori_loop(0, NG // 2 - 1, step, 0)

    _drain_gathers(table_hbm, idx_v, a128, a72, gsem_a)
    _fire_writes(out_hbm, a128, a72, wsem_a, base_b, NG - 2)
    _drain_gathers(table_hbm, idx_v, b128, b72, gsem_b)
    _fire_writes(out_hbm, b128, b72, wsem_b, base_b, NG - 1)
    _drain_writes(out_hbm, a128, a72, wsem_a)
    _drain_writes(out_hbm, b128, b72, wsem_b)


@functools.partial(jax.jit, static_argnames=())
def _emb_call(x, table):
    mesh = plsc.VectorSubcoreMesh(core_axis_name="c", subcore_axis_name="s")
    fn = pl.kernel(
        _emb_body,
        out_type=jax.ShapeDtypeStruct((B, L, DIM), jnp.float32),
        mesh=mesh,
        scratch_types=[
            pltpu.VMEM((BPW, L), jnp.int32),
            pltpu.VMEM((GPB, C0, DIM), jnp.float32),
            pltpu.VMEM((GPB, C1, DIM), jnp.float32),
            pltpu.VMEM((GPB, C0, DIM), jnp.float32),
            pltpu.VMEM((GPB, C1, DIM), jnp.float32),
            pltpu.SemaphoreType.DMA,
            pltpu.SemaphoreType.DMA,
            pltpu.SemaphoreType.DMA,
            pltpu.SemaphoreType.DMA,
        ],
        compiler_params=pltpu.CompilerParams(use_tc_tiling_on_sc=False),
    )
    return fn(x, table)


def kernel(x, table):
    return _emb_call(x.astype(jnp.int32), table)

# --- scband reference (transcript-rebuilt; emitter-appended) ---
"""Pipeline reference for scband-token-embedding-block-17575006175521 (READ-ONLY COPY).

The authoritative reference and input builder live on the scoring server;
editing this copy changes nothing except your own understanding.
"""

import jax, jax.numpy as jnp
import numpy as np

VOCAB = 1000000
DIM = 64
B = 1024
L = 200

def setup_inputs(seed: int = 0) -> dict:
    key = jax.random.key(seed)
    k1, k2 = jax.random.split(key)
    x = jax.random.randint(k1, (B, L), 0, VOCAB, dtype=jnp.int64) if jax.config.jax_enable_x64 else jax.random.randint(k1, (B, L), 0, VOCAB, dtype=jnp.int32)
    table = jax.random.normal(k2, (VOCAB, DIM), dtype=jnp.float32) * 0.02
    return {"x": x, "table": table}

def reference(x, table):
    # Embedding lookup: table[x] -> [B, L, DIM]
    emb = jnp.take(table, x, axis=0)
    # pe defaults to 0; dropout is identity in eval mode
    out = emb + 0.0
    return out

if __name__ == "__main__":
    import jax
    _d = setup_inputs()
    print(jax.jit(kernel)(*tuple(_d.values())))

</pallas_src>

<mosaic_0001>
#map = affine_map<(d0, d1) -> (0, 0)>
#map1 = affine_map<(d0, d1) -> (0, 0, 0)>
module attributes {stable_mosaic.version = 14 : i64} {
  func.func @_emb_body(%arg0: i32, %arg1: i32, %arg2: memref<1024x200xi32, #tpu.memory_space<hbm>>, %arg3: memref<1000000x64xf32, #tpu.memory_space<hbm>>, %arg4: memref<1024x200x64xf32, #tpu.memory_space<hbm>>, %arg5: memref<32x200xi32, #tpu.memory_space<vmem>>, %arg6: memref<2x128x64xf32, #tpu.memory_space<vmem>>, %arg7: memref<2x72x64xf32, #tpu.memory_space<vmem>>, %arg8: memref<2x128x64xf32, #tpu.memory_space<vmem>>, %arg9: memref<2x72x64xf32, #tpu.memory_space<vmem>>, %arg10: memref<!tpu.dma_semaphore, #tpu.memory_space<semaphore_mem>>, %arg11: memref<!tpu.dma_semaphore, #tpu.memory_space<semaphore_mem>>, %arg12: memref<!tpu.dma_semaphore, #tpu.memory_space<semaphore_mem>>, %arg13: memref<!tpu.dma_semaphore, #tpu.memory_space<semaphore_mem>>) attributes {dimension_semantics = [#tpu.dimension_semantics<core_parallel>, #tpu.dimension_semantics<subcore_parallel>], iteration_bounds = array<i64: 2, 16>, scalar_prefetch = 0 : i64, scratch_operands = 9 : i64, tpu.core_type = #tpu.core_type<sc_vector_subcore>, window_params = [{transform_indices = #map}, {transform_indices = #map}, {transform_indices = #map1}]} {
    %mul3A = arith.constant 2 : i32
    %mul3A_0 = arith.muli %arg1, %mul3A : i32
    %add3A = arith.addi %mul3A_0, %arg0 : i32
    %mul3A_1 = arith.constant 32 : i32
    %mul3A_2 = arith.muli %add3A, %mul3A_1 : i32
    "tpu.region"() ({
      %run_scoped3A = tpu.sem_alloc : memref<!tpu.dma_semaphore, #tpu.memory_space<semaphore_mem>>
      %dma_start3A_494 = arith.constant 0 : i32
      %dma_start3A_495 = tpu.memref_slice %arg2[%mul3A_2, %dma_start3A_494] : memref<1024x200xi32, #tpu.memory_space<hbm>> -> memref<32x200xi32, #tpu.memory_space<hbm>>
      %dma_start3A_496 = arith.constant 0 : i32
      %dma_start3A_497 = tpu.memref_slice %arg2[%mul3A_2, %dma_start3A_496] : memref<1024x200xi32, #tpu.memory_space<hbm>> -> memref<32x200xi32, #tpu.memory_space<hbm>>
      tpu.enqueue_dma source(%dma_start3A_497 : memref<32x200xi32, #tpu.memory_space<hbm>>) target(%arg5 : memref<32x200xi32, #tpu.memory_space<vmem>>) target_semaphore(%run_scoped3A : memref<!tpu.dma_semaphore, #tpu.memory_space<semaphore_mem>>)
      %dma_wait3A_498 = arith.constant 0 : i32
      %dma_wait3A_499 = tpu.memref_slice %arg2[%mul3A_2, %dma_wait3A_498] : memref<1024x200xi32, #tpu.memory_space<hbm>> -> memref<32x200xi32, #tpu.memory_space<hbm>>
      %dma_wait3A_500 = arith.constant 0 : i32
      %dma_wait3A_501 = tpu.memref_slice %arg2[%mul3A_2, %dma_wait3A_500] : memref<1024x200xi32, #tpu.memory_space<hbm>> -> memref<32x200xi32, #tpu.memory_space<hbm>>
      tpu.wait_dma2 semaphore(%run_scoped3A : memref<!tpu.dma_semaphore, #tpu.memory_space<semaphore_mem>>) src(%dma_wait3A_501 : memref<32x200xi32, #tpu.memory_space<hbm>>) dst(%arg5 : memref<32x200xi32, #tpu.memory_space<vmem>>)
      tpu.yield
    }) : () -> ()
    %dma_start3A = arith.constant 0 : i32
    %dma_start3A_3 = arith.constant 0 : i32
    %dma_start3A_4 = arith.constant 0 : i32
    %dma_start3A_5 = arith.constant 0 : i32
    %dma_start3A_6 = tpu.memref_slice %arg6[%dma_start3A_3, %dma_start3A_4, %dma_start3A_5] : memref<2x128x64xf32, #tpu.memory_space<vmem>> -> memref<1x128x64xf32, #tpu.memory_space<vmem>>
    %dma_start3A_7 = tpu.memref_squeeze %dma_start3A_6 : memref<1x128x64xf32, #tpu.memory_space<vmem>> -> memref<128x64xf32, #tpu.memory_space<vmem>>
    %dma_start3A_8 = arith.constant 0 : i32
    %dma_start3A_9 = tpu.memref_slice %arg5[%dma_start3A, %dma_start3A_8] : memref<32x200xi32, #tpu.memory_space<vmem>> -> memref<1x128xi32, #tpu.memory_space<vmem>>
    %dma_start3A_10 = tpu.memref_squeeze %dma_start3A_9 : memref<1x128xi32, #tpu.memory_space<vmem>> -> memref<128xi32, #tpu.memory_space<vmem>>
    %dma_start3A_11 = arith.constant 0 : i32
    %dma_start3A_12 = arith.constant 0 : i32
    %dma_start3A_13 = tpu.memref_slice %arg3[%dma_start3A_11, %dma_start3A_12] : memref<1000000x64xf32, #tpu.memory_space<hbm>> -> memref<1000000x64xf32, #tpu.memory_space<hbm>>
    tpu.enqueue_indirect_dma source(%dma_start3A_13 : memref<1000000x64xf32, #tpu.memory_space<hbm>>) target(%dma_start3A_7 : memref<128x64xf32, #tpu.memory_space<vmem>>) offsets(%dma_start3A_10 : memref<128xi32, #tpu.memory_space<vmem>>) semaphore(%arg10 : memref<!tpu.dma_semaphore, #tpu.memory_space<semaphore_mem>>)
    %dma_start3A_14 = arith.constant 0 : i32
    %dma_start3A_15 = arith.constant 0 : i32
    %dma_start3A_16 = arith.constant 0 : i32
    %dma_start3A_17 = arith.constant 0 : i32
    %dma_start3A_18 = tpu.memref_slice %arg7[%dma_start3A_15, %dma_start3A_16, %dma_start3A_17] : memref<2x72x64xf32, #tpu.memory_space<vmem>> -> memref<1x72x64xf32, #tpu.memory_space<vmem>>
    %dma_start3A_19 = tpu.memref_squeeze %dma_start3A_18 : memref<1x72x64xf32, #tpu.memory_space<vmem>> -> memref<72x64xf32, #tpu.memory_space<vmem>>
    %dma_start3A_20 = arith.constant 128 : i32
    %dma_start3A_21 = tpu.memref_slice %arg5[%dma_start3A_14, %dma_start3A_20] : memref<32x200xi32, #tpu.memory_space<vmem>> -> memref<1x72xi32, #tpu.memory_space<vmem>>
    %dma_start3A_22 = tpu.memref_squeeze %dma_start3A_21 : memref<1x72xi32, #tpu.memory_space<vmem>> -> memref<72xi32, #tpu.memory_space<vmem>>
    %dma_start3A_23 = arith.constant 0 : i32
    %dma_start3A_24 = arith.constant 0 : i32
    %dma_start3A_25 = tpu.memref_slice %arg3[%dma_start3A_23, %dma_start3A_24] : memref<1000000x64xf32, #tpu.memory_space<hbm>> -> memref<1000000x64xf32, #tpu.memory_space<hbm>>
    tpu.enqueue_indirect_dma source(%dma_start3A_25 : memref<1000000x64xf32, #tpu.memory_space<hbm>>) target(%dma_start3A_19 : memref<72x64xf32, #tpu.memory_space<vmem>>) offsets(%dma_start3A_22 : memref<72xi32, #tpu.memory_space<vmem>>) semaphore(%arg10 : memref<!tpu.dma_semaphore, #tpu.memory_space<semaphore_mem>>)
    %dma_start3A_26 = arith.constant 1 : i32
    %dma_start3A_27 = arith.constant 1 : i32
    %dma_start3A_28 = arith.constant 0 : i32
    %dma_start3A_29 = arith.constant 0 : i32
    %dma_start3A_30 = tpu.memref_slice %arg6[%dma_start3A_27, %dma_start3A_28, %dma_start3A_29] : memref<2x128x64xf32, #tpu.memory_space<vmem>> -> memref<1x128x64xf32, #tpu.memory_space<vmem>>
    %dma_start3A_31 = tpu.memref_squeeze %dma_start3A_30 : memref<1x128x64xf32, #tpu.memory_space<vmem>> -> memref<128x64xf32, #tpu.memory_space<vmem>>
    %dma_start3A_32 = arith.constant 0 : i32
    %dma_start3A_33 = tpu.memref_slice %arg5[%dma_start3A_26, %dma_start3A_32] : memref<32x200xi32, #tpu.memory_space<vmem>> -> memref<1x128xi32, #tpu.memory_space<vmem>>
    %dma_start3A_34 = tpu.memref_squeeze %dma_start3A_33 : memref<1x128xi32, #tpu.memory_space<vmem>> -> memref<128xi32, #tpu.memory_space<vmem>>
    %dma_start3A_35 = arith.constant 0 : i32
    %dma_start3A_36 = arith.constant 0 : i32
    %dma_start3A_37 = tpu.memref_slice %arg3[%dma_start3A_35, %dma_start3A_36] : memref<1000000x64xf32, #tpu.memory_space<hbm>> -> memref<1000000x64xf32, #tpu.memory_space<hbm>>
    tpu.enqueue_indirect_dma source(%dma_start3A_37 : memref<1000000x64xf32, #tpu.memory_space<hbm>>) target(%dma_start3A_31 : memref<128x64xf32, #tpu.memory_space<vmem>>) offsets(%dma_start3A_34 : memref<128xi32, #tpu.memory_space<vmem>>) semaphore(%arg10 : memref<!tpu.dma_semaphore, #tpu.memory_space<semaphore_mem>>)
    %dma_start3A_38 = arith.constant 1 : i32
    %dma_start3A_39 = arith.constant 1 : i32
    %dma_start3A_40 = arith.constant 0 : i32
    %dma_start3A_41 = arith.constant 0 : i32
    %dma_start3A_42 = tpu.memref_slice %arg7[%dma_start3A_39, %dma_start3A_40, %dma_start3A_41] : memref<2x72x64xf32, #tpu.memory_space<vmem>> -> memref<1x72x64xf32, #tpu.memory_space<vmem>>
    %dma_start3A_43 = tpu.memref_squeeze %dma_start3A_42 : memref<1x72x64xf32, #tpu.memory_space<vmem>> -> memref<72x64xf32, #tpu.memory_space<vmem>>
    %dma_start3A_44 = arith.constant 128 : i32
    %dma_start3A_45 = tpu.memref_slice %arg5[%dma_start3A_38, %dma_start3A_44] : memref<32x200xi32, #tpu.memory_space<vmem>> -> memref<1x72xi32, #tpu.memory_space<vmem>>
    %dma_start3A_46 = tpu.memref_squeeze %dma_start3A_45 : memref<1x72xi32, #tpu.memory_space<vmem>> -> memref<72xi32, #tpu.memory_space<vmem>>
    %dma_start3A_47 = arith.constant 0 : i32
    %dma_start3A_48 = arith.constant 0 : i32
    %dma_start3A_49 = tpu.memref_slice %arg3[%dma_start3A_47, %dma_start3A_48] : memref<1000000x64xf32, #tpu.memory_space<hbm>> -> memref<1000000x64xf32, #tpu.memory_space<hbm>>
    tpu.enqueue_indirect_dma source(%dma_start3A_49 : memref<1000000x64xf32, #tpu.memory_space<hbm>>) target(%dma_start3A_43 : memref<72x64xf32, #tpu.memory_space<vmem>>) offsets(%dma_start3A_46 : memref<72xi32, #tpu.memory_space<vmem>>) semaphore(%arg10 : memref<!tpu.dma_semaphore, #tpu.memory_space<semaphore_mem>>)
    %dma_start3A_50 = arith.constant 2 : i32
    %dma_start3A_51 = arith.constant 0 : i32
    %dma_start3A_52 = arith.constant 0 : i32
    %dma_start3A_53 = arith.constant 0 : i32
    %dma_start3A_54 = tpu.memref_slice %arg8[%dma_start3A_51, %dma_start3A_52, %dma_start3A_53] : memref<2x128x64xf32, #tpu.memory_space<vmem>> -> memref<1x128x64xf32, #tpu.memory_space<vmem>>
    %dma_start3A_55 = tpu.memref_squeeze %dma_start3A_54 : memref<1x128x64xf32, #tpu.memory_space<vmem>> -> memref<128x64xf32, #tpu.memory_space<vmem>>
    %dma_start3A_56 = arith.constant 0 : i32
    %dma_start3A_57 = tpu.memref_slice %arg5[%dma_start3A_50, %dma_start3A_56] : memref<32x200xi32, #tpu.memory_space<vmem>> -> memref<1x128xi32, #tpu.memory_space<vmem>>
    %dma_start3A_58 = tpu.memref_squeeze %dma_start3A_57 : memref<1x128xi32, #tpu.memory_space<vmem>> -> memref<128xi32, #tpu.memory_space<vmem>>
    %dma_start3A_59 = arith.constant 0 : i32
    %dma_start3A_60 = arith.constant 0 : i32
    %dma_start3A_61 = tpu.memref_slice %arg3[%dma_start3A_59, %dma_start3A_60] : memref<1000000x64xf32, #tpu.memory_space<hbm>> -> memref<1000000x64xf32, #tpu.memory_space<hbm>>
    tpu.enqueue_indirect_dma source(%dma_start3A_61 : memref<1000000x64xf32, #tpu.memory_space<hbm>>) target(%dma_start3A_55 : memref<128x64xf32, #tpu.memory_space<vmem>>) offsets(%dma_start3A_58 : memref<128xi32, #tpu.memory_space<vmem>>) semaphore(%arg11 : memref<!tpu.dma_semaphore, #tpu.memory_space<semaphore_mem>>)
    %dma_start3A_62 = arith.constant 2 : i32
    %dma_start3A_63 = arith.constant 0 : i32
    %dma_start3A_64 = arith.constant 0 : i32
    %dma_start3A_65 = arith.constant 0 : i32
    %dma_start3A_66 = tpu.memref_slice %arg9[%dma_start3A_63, %dma_start3A_64, %dma_start3A_65] : memref<2x72x64xf32, #tpu.memory_space<vmem>> -> memref<1x72x64xf32, #tpu.memory_space<vmem>>
    %dma_start3A_67 = tpu.memref_squeeze %dma_start3A_66 : memref<1x72x64xf32, #tpu.memory_space<vmem>> -> memref<72x64xf32, #tpu.memory_space<vmem>>
    %dma_start3A_68 = arith.constant 128 : i32
    %dma_start3A_69 = tpu.memref_slice %arg5[%dma_start3A_62, %dma_start3A_68] : memref<32x200xi32, #tpu.memory_space<vmem>> -> memref<1x72xi32, #tpu.memory_space<vmem>>
    %dma_start3A_70 = tpu.memref_squeeze %dma_start3A_69 : memref<1x72xi32, #tpu.memory_space<vmem>> -> memref<72xi32, #tpu.memory_space<vmem>>
    %dma_start3A_71 = arith.constant 0 : i32
    %dma_start3A_72 = arith.constant 0 : i32
    %dma_start3A_73 = tpu.memref_slice %arg3[%dma_start3A_71, %dma_start3A_72] : memref<1000000x64xf32, #tpu.memory_space<hbm>> -> memref<1000000x64xf32, #tpu.memory_space<hbm>>
    tpu.enqueue_indirect_dma source(%dma_start3A_73 : memref<1000000x64xf32, #tpu.memory_space<hbm>>) target(%dma_start3A_67 : memref<72x64xf32, #tpu.memory_space<vmem>>) offsets(%dma_start3A_70 : memref<72xi32, #tpu.memory_space<vmem>>) semaphore(%arg11 : memref<!tpu.dma_semaphore, #tpu.memory_space<semaphore_mem>>)
    %dma_start3A_74 = arith.constant 3 : i32
    %dma_start3A_75 = arith.constant 1 : i32
    %dma_start3A_76 = arith.constant 0 : i32
    %dma_start3A_77 = arith.constant 0 : i32
    %dma_start3A_78 = tpu.memref_slice %arg8[%dma_start3A_75, %dma_start3A_76, %dma_start3A_77] : memref<2x128x64xf32, #tpu.memory_space<vmem>> -> memref<1x128x64xf32, #tpu.memory_space<vmem>>
    %dma_start3A_79 = tpu.memref_squeeze %dma_start3A_78 : memref<1x128x64xf32, #tpu.memory_space<vmem>> -> memref<128x64xf32, #tpu.memory_space<vmem>>
    %dma_start3A_80 = arith.constant 0 : i32
    %dma_start3A_81 = tpu.memref_slice %arg5[%dma_start3A_74, %dma_start3A_80] : memref<32x200xi32, #tpu.memory_space<vmem>> -> memref<1x128xi32, #tpu.memory_space<vmem>>
    %dma_start3A_82 = tpu.memref_squeeze %dma_start3A_81 : memref<1x128xi32, #tpu.memory_space<vmem>> -> memref<128xi32, #tpu.memory_space<vmem>>
    %dma_start3A_83 = arith.constant 0 : i32
    %dma_start3A_84 = arith.constant 0 : i32
    %dma_start3A_85 = tpu.memref_slice %arg3[%dma_start3A_83, %dma_start3A_84] : memref<1000000x64xf32, #tpu.memory_space<hbm>> -> memref<1000000x64xf32, #tpu.memory_space<hbm>>
    tpu.enqueue_indirect_dma source(%dma_start3A_85 : memref<1000000x64xf32, #tpu.memory_space<hbm>>) target(%dma_start3A_79 : memref<128x64xf32, #tpu.memory_space<vmem>>) offsets(%dma_start3A_82 : memref<128xi32, #tpu.memory_space<vmem>>) semaphore(%arg11 : memref<!tpu.dma_semaphore, #tpu.memory_space<semaphore_mem>>)
    %dma_start3A_86 = arith.constant 3 : i32
    %dma_start3A_87 = arith.constant 1 : i32
    %dma_start3A_88 = arith.constant 0 : i32
    %dma_start3A_89 = arith.constant 0 : i32
    %dma_start3A_90 = tpu.memref_slice %arg9[%dma_start3A_87, %dma_start3A_88, %dma_start3A_89] : memref<2x72x64xf32, #tpu.memory_space<vmem>> -> memref<1x72x64xf32, #tpu.memory_space<vmem>>
    %dma_start3A_91 = tpu.memref_squeeze %dma_start3A_90 : memref<1x72x64xf32, #tpu.memory_space<vmem>> -> memref<72x64xf32, #tpu.memory_space<vmem>>
    %dma_start3A_92 = arith.constant 128 : i32
    %dma_start3A_93 = tpu.memref_slice %arg5[%dma_start3A_86, %dma_start3A_92] : memref<32x200xi32, #tpu.memory_space<vmem>> -> memref<1x72xi32, #tpu.memory_space<vmem>>
    %dma_start3A_94 = tpu.memref_squeeze %dma_start3A_93 : memref<1x72xi32, #tpu.memory_space<vmem>> -> memref<72xi32, #tpu.memory_space<vmem>>
    %dma_start3A_95 = arith.constant 0 : i32
    %dma_start3A_96 = arith.constant 0 : i32
    %dma_start3A_97 = tpu.memref_slice %arg3[%dma_start3A_95, %dma_start3A_96] : memref<1000000x64xf32, #tpu.memory_space<hbm>> -> memref<1000000x64xf32, #tpu.memory_space<hbm>>
    tpu.enqueue_indirect_dma source(%dma_start3A_97 : memref<1000000x64xf32, #tpu.memory_space<hbm>>) target(%dma_start3A_91 : memref<72x64xf32, #tpu.memory_space<vmem>>) offsets(%dma_start3A_94 : memref<72xi32, #tpu.memory_space<vmem>>) semaphore(%arg11 : memref<!tpu.dma_semaphore, #tpu.memory_space<semaphore_mem>>)
    %scan3A = arith.constant 0 : i32
    %scan3A_98 = arith.constant 0 : i32
    %scan3A_99 = arith.constant 7 : i32
    %scan3A_100 = arith.addi %scan3A_98, %scan3A_99 : i32
    %scan3A_101 = arith.constant 1 : i32
    scf.for %scan3A_494 = %scan3A_98 to %scan3A_100 step %scan3A_101  : i32 {
      %mul3A_495 = arith.constant 2 : i32
      %mul3A_496 = arith.muli %mul3A_495, %scan3A_494 : i32
      %add3A_497 = arith.constant 1 : i32
      %add3A_498 = arith.addi %mul3A_496, %add3A_497 : i32
      %dma_wait3A_499 = arith.constant 0 : i32
      %dma_wait3A_500 = arith.constant 0 : i32
      %dma_wait3A_501 = arith.constant 0 : i32
      %dma_wait3A_502 = arith.constant 0 : i32
      %dma_wait3A_503 = tpu.memref_slice %arg6[%dma_wait3A_500, %dma_wait3A_501, %dma_wait3A_502] : memref<2x128x64xf32, #tpu.memory_space<vmem>> -> memref<1x128x64xf32, #tpu.memory_space<vmem>>
      %dma_wait3A_504 = tpu.memref_squeeze %dma_wait3A_503 : memref<1x128x64xf32, #tpu.memory_space<vmem>> -> memref<128x64xf32, #tpu.memory_space<vmem>>
      %dma_wait3A_505 = arith.constant 0 : i32
      %dma_wait3A_506 = tpu.memref_slice %arg5[%dma_wait3A_499, %dma_wait3A_505] : memref<32x200xi32, #tpu.memory_space<vmem>> -> memref<1x128xi32, #tpu.memory_space<vmem>>
      %dma_wait3A_507 = tpu.memref_squeeze %dma_wait3A_506 : memref<1x128xi32, #tpu.memory_space<vmem>> -> memref<128xi32, #tpu.memory_space<vmem>>
      %dma_wait3A_508 = arith.constant 0 : i32
      %dma_wait3A_509 = arith.constant 0 : i32
      %dma_wait3A_510 = tpu.memref_slice %arg3[%dma_wait3A_508, %dma_wait3A_509] : memref<1000000x64xf32, #tpu.memory_space<hbm>> -> memref<1000000x64xf32, #tpu.memory_space<hbm>>
      tpu.wait_indirect_dma semaphore(%arg10 : memref<!tpu.dma_semaphore, #tpu.memory_space<semaphore_mem>>) src(%dma_wait3A_510 : memref<1000000x64xf32, #tpu.memory_space<hbm>>) dst(%dma_wait3A_504 : memref<128x64xf32, #tpu.memory_space<vmem>>)
      %dma_wait3A_511 = arith.constant 0 : i32
      %dma_wait3A_512 = arith.constant 0 : i32
      %dma_wait3A_513 = arith.constant 0 : i32
      %dma_wait3A_514 = arith.constant 0 : i32
      %dma_wait3A_515 = tpu.memref_slice %arg7[%dma_wait3A_512, %dma_wait3A_513, %dma_wait3A_514] : memref<2x72x64xf32, #tpu.memory_space<vmem>> -> memref<1x72x64xf32, #tpu.memory_space<vmem>>
      %dma_wait3A_516 = tpu.memref_squeeze %dma_wait3A_515 : memref<1x72x64xf32, #tpu.memory_space<vmem>> -> memref<72x64xf32, #tpu.memory_space<vmem>>
      %dma_wait3A_517 = arith.constant 128 : i32
      %dma_wait3A_518 = tpu.memref_slice %arg5[%dma_wait3A_511, %dma_wait3A_517] : memref<32x200xi32, #tpu.memory_space<vmem>> -> memref<1x72xi32, #tpu.memory_space<vmem>>
      %dma_wait3A_519 = tpu.memref_squeeze %dma_wait3A_518 : memref<1x72xi32, #tpu.memory_space<vmem>> -> memref<72xi32, #tpu.memory_space<vmem>>
      %dma_wait3A_520 = arith.constant 0 : i32
      %dma_wait3A_521 = arith.constant 0 : i32
      %dma_wait3A_522 = tpu.memref_slice %arg3[%dma_wait3A_520, %dma_wait3A_521] : memref<1000000x64xf32, #tpu.memory_space<hbm>> -> memref<1000000x64xf32, #tpu.memory_space<hbm>>
      tpu.wait_indirect_dma semaphore(%arg10 : memref<!tpu.dma_semaphore, #tpu.memory_space<semaphore_mem>>) src(%dma_wait3A_522 : memref<1000000x64xf32, #tpu.memory_space<hbm>>) dst(%dma_wait3A_516 : memref<72x64xf32, #tpu.memory_space<vmem>>)
      %dma_wait3A_523 = arith.constant 0 : i32
      %dma_wait3A_524 = arith.constant 1 : i32
      %dma_wait3A_525 = arith.constant 0 : i32
      %dma_wait3A_526 = arith.constant 0 : i32
      %dma_wait3A_527 = tpu.memref_slice %arg6[%dma_wait3A_524, %dma_wait3A_525, %dma_wait3A_526] : memref<2x128x64xf32, #tpu.memory_space<vmem>> -> memref<1x128x64xf32, #tpu.memory_space<vmem>>
      %dma_wait3A_528 = tpu.memref_squeeze %dma_wait3A_527 : memref<1x128x64xf32, #tpu.memory_space<vmem>> -> memref<128x64xf32, #tpu.memory_space<vmem>>
      %dma_wait3A_529 = arith.constant 0 : i32
      %dma_wait3A_530 = tpu.memref_slice %arg5[%dma_wait3A_523, %dma_wait3A_529] : memref<32x200xi32, #tpu.memory_space<vmem>> -> memref<1x128xi32, #tpu.memory_space<vmem>>
      %dma_wait3A_531 = tpu.memref_squeeze %dma_wait3A_530 : memref<1x128xi32, #tpu.memory_space<vmem>> -> memref<128xi32, #tpu.memory_space<vmem>>
      %dma_wait3A_532 = arith.constant 0 : i32
      %dma_wait3A_533 = arith.constant 0 : i32
      %dma_wait3A_534 = tpu.memref_slice %arg3[%dma_wait3A_532, %dma_wait3A_533] : memref<1000000x64xf32, #tpu.memory_space<hbm>> -> memref<1000000x64xf32, #tpu.memory_space<hbm>>
      tpu.wait_indirect_dma semaphore(%arg10 : memref<!tpu.dma_semaphore, #tpu.memory_space<semaphore_mem>>) src(%dma_wait3A_534 : memref<1000000x64xf32, #tpu.memory_space<hbm>>) dst(%dma_wait3A_528 : memref<128x64xf32, #tpu.memory_space<vmem>>)
      %dma_wait3A_535 = arith.constant 0 : i32
      %dma_wait3A_536 = arith.constant 1 : i32
      %dma_wait3A_537 = arith.constant 0 : i32
      %dma_wait3A_538 = arith.constant 0 : i32
      %dma_wait3A_539 = tpu.memref_slice %arg7[%dma_wait3A_536, %dma_wait3A_537, %dma_wait3A_538] : memref<2x72x64xf32, #tpu.memory_space<vmem>> -> memref<1x72x64xf32, #tpu.memory_space<vmem>>
      %dma_wait3A_540 = tpu.memref_squeeze %dma_wait3A_539 : memref<1x72x64xf32, #tpu.memory_space<vmem>> -> memref<72x64xf32, #tpu.memory_space<vmem>>
      %dma_wait3A_541 = arith.constant 128 : i32
      %dma_wait3A_542 = tpu.memref_slice %arg5[%dma_wait3A_535, %dma_wait3A_541] : memref<32x200xi32, #tpu.memory_space<vmem>> -> memref<1x72xi32, #tpu.memory_space<vmem>>
      %dma_wait3A_543 = tpu.memref_squeeze %dma_wait3A_542 : memref<1x72xi32, #tpu.memory_space<vmem>> -> memref<72xi32, #tpu.memory_space<vmem>>
      %dma_wait3A_544 = arith.constant 0 : i32
      %dma_wait3A_545 = arith.constant 0 : i32
      %dma_wait3A_546 = tpu.memref_slice %arg3[%dma_wait3A_544, %dma_wait3A_545] : memref<1000000x64xf32, #tpu.memory_space<hbm>> -> memref<1000000x64xf32, #tpu.memory_space<hbm>>
      tpu.wait_indirect_dma semaphore(%arg10 : memref<!tpu.dma_semaphore, #tpu.memory_space<semaphore_mem>>) src(%dma_wait3A_546 : memref<1000000x64xf32, #tpu.memory_space<hbm>>) dst(%dma_wait3A_540 : memref<72x64xf32, #tpu.memory_space<vmem>>)
      %mul3A_547 = arith.constant 2 : i32
      %mul3A_548 = arith.muli %mul3A_496, %mul3A_547 : i32
      %add3A_549 = arith.addi %mul3A_2, %mul3A_548 : i32
      %add3A_550 = arith.constant 0 : i32
      %add3A_551 = arith.addi %add3A_549, %add3A_550 : i32
      %dma_start3A_552 = arith.constant 0 : i32
      %dma_start3A_553 = arith.constant 0 : i32
      %dma_start3A_554 = arith.constant 0 : i32
      %dma_start3A_555 = tpu.memref_slice %arg6[%dma_start3A_552, %dma_start3A_553, %dma_start3A_554] : memref<2x128x64xf32, #tpu.memory_space<vmem>> -> memref<1x128x64xf32, #tpu.memory_space<vmem>>
      %dma_start3A_556 = tpu.memref_squeeze %dma_start3A_555 : memref<1x128x64xf32, #tpu.memory_space<vmem>> -> memref<128x64xf32, #tpu.memory_space<vmem>>
      %dma_start3A_557 = arith.constant 0 : i32
      %dma_start3A_558 = arith.constant 0 : i32
      %dma_start3A_559 = tpu.memref_slice %arg4[%add3A_551, %dma_start3A_557, %dma_start3A_558] : memref<1024x200x64xf32, #tpu.memory_space<hbm>> -> memref<1x128x64xf32, #tpu.memory_space<hbm>>
      %dma_start3A_560 = tpu.memref_squeeze %dma_start3A_559 : memref<1x128x64xf32, #tpu.memory_space<hbm>> -> memref<128x64xf32, #tpu.memory_space<hbm>>
      %dma_start3A_561 = arith.constant 0 : i32
      %dma_start3A_562 = arith.constant 0 : i32
      %dma_start3A_563 = tpu.memref_slice %arg4[%add3A_551, %dma_start3A_561, %dma_start3A_562] : memref<1024x200x64xf32, #tpu.memory_space<hbm>> -> memref<1x128x64xf32, #tpu.memory_space<hbm>>
      %dma_start3A_564 = tpu.memref_squeeze %dma_start3A_563 : memref<1x128x64xf32, #tpu.memory_space<hbm>> -> memref<128x64xf32, #tpu.memory_space<hbm>>
      %dma_start3A_565 = arith.constant 0 : i32
      %dma_start3A_566 = arith.constant 0 : i32
      %dma_start3A_567 = tpu.memref_slice %arg6[%dma_start3A_552, %dma_start3A_565, %dma_start3A_566] : memref<2x128x64xf32, #tpu.memory_space<vmem>> -> memref<1x128x64xf32, #tpu.memory_space<vmem>>
      %dma_start3A_568 = tpu.memref_squeeze %dma_start3A_567 : memref<1x128x64xf32, #tpu.memory_space<vmem>> -> memref<128x64xf32, #tpu.memory_space<vmem>>
      tpu.enqueue_dma source(%dma_start3A_568 : memref<128x64xf32, #tpu.memory_space<vmem>>) target(%dma_start3A_564 : memref<128x64xf32, #tpu.memory_space<hbm>>) target_semaphore(%arg12 : memref<!tpu.dma_semaphore, #tpu.memory_space<semaphore_mem>>)
      %dma_start3A_569 = arith.constant 0 : i32
      %dma_start3A_570 = arith.constant 0 : i32
      %dma_start3A_571 = arith.constant 0 : i32
      %dma_start3A_572 = tpu.memref_slice %arg7[%dma_start3A_569, %dma_start3A_570, %dma_start3A_571] : memref<2x72x64xf32, #tpu.memory_space<vmem>> -> memref<1x72x64xf32, #tpu.memory_space<vmem>>
      %dma_start3A_573 = tpu.memref_squeeze %dma_start3A_572 : memref<1x72x64xf32, #tpu.memory_space<vmem>> -> memref<72x64xf32, #tpu.memory_space<vmem>>
      %dma_start3A_574 = arith.constant 128 : i32
      %dma_start3A_575 = arith.constant 0 : i32
      %dma_start3A_576 = tpu.memref_slice %arg4[%add3A_551, %dma_start3A_574, %dma_start3A_575] : memref<1024x200x64xf32, #tpu.memory_space<hbm>> -> memref<1x72x64xf32, #tpu.memory_space<hbm>>
      %dma_start3A_577 = tpu.memref_squeeze %dma_start3A_576 : memref<1x72x64xf32, #tpu.memory_space<hbm>> -> memref<72x64xf32, #tpu.memory_space<hbm>>
      %dma_start3A_578 = arith.constant 128 : i32
      %dma_start3A_579 = arith.constant 0 : i32
      %dma_start3A_580 = tpu.memref_slice %arg4[%add3A_551, %dma_start3A_578, %dma_start3A_579] : memref<1024x200x64xf32, #tpu.memory_space<hbm>> -> memref<1x72x64xf32, #tpu.memory_space<hbm>>
      %dma_start3A_581 = tpu.memref_squeeze %dma_start3A_580 : memref<1x72x64xf32, #tpu.memory_space<hbm>> -> memref<72x64xf32, #tpu.memory_space<hbm>>
      %dma_start3A_582 = arith.constant 0 : i32
      %dma_start3A_583 = arith.constant 0 : i32
      %dma_start3A_584 = tpu.memref_slice %arg7[%dma_start3A_569, %dma_start3A_582, %dma_start3A_583] : memref<2x72x64xf32, #tpu.memory_space<vmem>> -> memref<1x72x64xf32, #tpu.memory_space<vmem>>
      %dma_start3A_585 = tpu.memref_squeeze %dma_start3A_584 : memref<1x72x64xf32, #tpu.memory_space<vmem>> -> memref<72x64xf32, #tpu.memory_space<vmem>>
      tpu.enqueue_dma source(%dma_start3A_585 : memref<72x64xf32, #tpu.memory_space<vmem>>) target(%dma_start3A_581 : memref<72x64xf32, #tpu.memory_space<hbm>>) target_semaphore(%arg12 : memref<!tpu.dma_semaphore, #tpu.memory_space<semaphore_mem>>)
      %mul3A_586 = arith.constant 2 : i32
      %mul3A_587 = arith.muli %mul3A_496, %mul3A_586 : i32
      %add3A_588 = arith.addi %mul3A_2, %mul3A_587 : i32
      %add3A_589 = arith.constant 1 : i32
      %add3A_590 = arith.addi %add3A_588, %add3A_589 : i32
      %dma_start3A_591 = arith.constant 1 : i32
      %dma_start3A_592 = arith.constant 0 : i32
      %dma_start3A_593 = arith.constant 0 : i32
      %dma_start3A_594 = tpu.memref_slice %arg6[%dma_start3A_591, %dma_start3A_592, %dma_start3A_593] : memref<2x128x64xf32, #tpu.memory_space<vmem>> -> memref<1x128x64xf32, #tpu.memory_space<vmem>>
      %dma_start3A_595 = tpu.memref_squeeze %dma_start3A_594 : memref<1x128x64xf32, #tpu.memory_space<vmem>> -> memref<128x64xf32, #tpu.memory_space<vmem>>
      %dma_start3A_596 = arith.constant 0 : i32
      %dma_start3A_597 = arith.constant 0 : i32
      %dma_start3A_598 = tpu.memref_slice %arg4[%add3A_590, %dma_start3A_596, %dma_start3A_597] : memref<1024x200x64xf32, #tpu.memory_space<hbm>> -> memref<1x128x64xf32, #tpu.memory_space<hbm>>
      %dma_start3A_599 = tpu.memref_squeeze %dma_start3A_598 : memref<1x128x64xf32, #tpu.memory_space<hbm>> -> memref<128x64xf32, #tpu.memory_space<hbm>>
      %dma_start3A_600 = arith.constant 0 : i32
      %dma_start3A_601 = arith.constant 0 : i32
      %dma_start3A_602 = tpu.memref_slice %arg4[%add3A_590, %dma_start3A_600, %dma_start3A_601] : memref<1024x200x64xf32, #tpu.memory_space<hbm>> -> memref<1x128x64xf32, #tpu.memory_space<hbm>>
      %dma_start3A_603 = tpu.memref_squeeze %dma_start3A_602 : memref<1x128x64xf32, #tpu.memory_space<hbm>> -> memref<128x64xf32, #tpu.memory_space<hbm>>
      %dma_start3A_604 = arith.constant 0 : i32
      %dma_start3A_605 = arith.constant 0 : i32
      %dma_start3A_606 = tpu.memref_slice %arg6[%dma_start3A_591, %dma_start3A_604, %dma_start3A_605] : memref<2x128x64xf32, #tpu.memory_space<vmem>> -> memref<1x128x64xf32, #tpu.memory_space<vmem>>
      %dma_start3A_607 = tpu.memref_squeeze %dma_start3A_606 : memref<1x128x64xf32, #tpu.memory_space<vmem>> -> memref<128x64xf32, #tpu.memory_space<vmem>>
      tpu.enqueue_dma source(%dma_start3A_607 : memref<128x64xf32, #tpu.memory_space<vmem>>) target(%dma_start3A_603 : memref<128x64xf32, #tpu.memory_space<hbm>>) target_semaphore(%arg12 : memref<!tpu.dma_semaphore, #tpu.memory_space<semaphore_mem>>)
      %dma_start3A_608 = arith.constant 1 : i32
      %dma_start3A_609 = arith.constant 0 : i32
      %dma_start3A_610 = arith.constant 0 : i32
      %dma_start3A_611 = tpu.memref_slice %arg7[%dma_start3A_608, %dma_start3A_609, %dma_start3A_610] : memref<2x72x64xf32, #tpu.memory_space<vmem>> -> memref<1x72x64xf32, #tpu.memory_space<vmem>>
      %dma_start3A_612 = tpu.memref_squeeze %dma_start3A_611 : memref<1x72x64xf32, #tpu.memory_space<vmem>> -> memref<72x64xf32, #tpu.memory_space<vmem>>
      %dma_start3A_613 = arith.constant 128 : i32
      %dma_start3A_614 = arith.constant 0 : i32
      %dma_start3A_615 = tpu.memref_slice %arg4[%add3A_590, %dma_start3A_613, %dma_start3A_614] : memref<1024x200x64xf32, #tpu.memory_space<hbm>> -> memref<1x72x64xf32, #tpu.memory_space<hbm>>
      %dma_start3A_616 = tpu.memref_squeeze %dma_start3A_615 : memref<1x72x64xf32, #tpu.memory_space<hbm>> -> memref<72x64xf32, #tpu.memory_space<hbm>>
      %dma_start3A_617 = arith.constant 128 : i32
      %dma_start3A_618 = arith.constant 0 : i32
      %dma_start3A_619 = tpu.memref_slice %arg4[%add3A_590, %dma_start3A_617, %dma_start3A_618] : memref<1024x200x64xf32, #tpu.memory_space<hbm>> -> memref<1x72x64xf32, #tpu.memory_space<hbm>>
      %dma_start3A_620 = tpu.memref_squeeze %dma_start3A_619 : memref<1x72x64xf32, #tpu.memory_space<hbm>> -> memref<72x64xf32, #tpu.memory_space<hbm>>
      %dma_start3A_621 = arith.constant 0 : i32
      %dma_start3A_622 = arith.constant 0 : i32
      %dma_start3A_623 = tpu.memref_slice %arg7[%dma_start3A_608, %dma_start3A_621, %dma_start3A_622] : memref<2x72x64xf32, #tpu.memory_space<vmem>> -> memref<1x72x64xf32, #tpu.memory_space<vmem>>
      %dma_start3A_624 = tpu.memref_squeeze %dma_start3A_623 : memref<1x72x64xf32, #tpu.memory_space<vmem>> -> memref<72x64xf32, #tpu.memory_space<vmem>>
      tpu.enqueue_dma source(%dma_start3A_624 : memref<72x64xf32, #tpu.memory_space<vmem>>) target(%dma_start3A_620 : memref<72x64xf32, #tpu.memory_space<hbm>>) target_semaphore(%arg12 : memref<!tpu.dma_semaphore, #tpu.memory_space<semaphore_mem>>)
      %dma_wait3A_625 = arith.constant 0 : i32
      %dma_wait3A_626 = arith.constant 0 : i32
      %dma_wait3A_627 = arith.constant 0 : i32
      %dma_wait3A_628 = arith.constant 0 : i32
      %dma_wait3A_629 = tpu.memref_slice %arg6[%dma_wait3A_625, %dma_wait3A_627, %dma_wait3A_628] : memref<2x128x64xf32, #tpu.memory_space<vmem>> -> memref<1x128x64xf32, #tpu.memory_space<vmem>>
      %dma_wait3A_630 = tpu.memref_squeeze %dma_wait3A_629 : memref<1x128x64xf32, #tpu.memory_space<vmem>> -> memref<128x64xf32, #tpu.memory_space<vmem>>
      %dma_wait3A_631 = arith.constant 0 : i32
      %dma_wait3A_632 = arith.constant 0 : i32
      %dma_wait3A_633 = tpu.memref_slice %arg4[%dma_wait3A_626, %dma_wait3A_631, %dma_wait3A_632] : memref<1024x200x64xf32, #tpu.memory_space<hbm>> -> memref<1x128x64xf32, #tpu.memory_space<hbm>>
      %dma_wait3A_634 = tpu.memref_squeeze %dma_wait3A_633 : memref<1x128x64xf32, #tpu.memory_space<hbm>> -> memref<128x64xf32, #tpu.memory_space<hbm>>
      %dma_wait3A_635 = arith.constant 0 : i32
      %dma_wait3A_636 = arith.constant 0 : i32
      %dma_wait3A_637 = tpu.memref_slice %arg4[%dma_wait3A_626, %dma_wait3A_635, %dma_wait3A_636] : memref<1024x200x64xf32, #tpu.memory_space<hbm>> -> memref<1x128x64xf32, #tpu.memory_space<hbm>>
      %dma_wait3A_638 = tpu.memref_squeeze %dma_wait3A_637 : memref<1x128x64xf32, #tpu.memory_space<hbm>> -> memref<128x64xf32, #tpu.memory_space<hbm>>
      %dma_wait3A_639 = arith.constant 0 : i32
      %dma_wait3A_640 = arith.constant 0 : i32
      %dma_wait3A_641 = tpu.memref_slice %arg6[%dma_wait3A_625, %dma_wait3A_639, %dma_wait3A_640] : memref<2x128x64xf32, #tpu.memory_space<vmem>> -> memref<1x128x64xf32, #tpu.memory_space<vmem>>
      %dma_wait3A_642 = tpu.memref_squeeze %dma_wait3A_641 : memref<1x128x64xf32, #tpu.memory_space<vmem>> -> memref<128x64xf32, #tpu.memory_space<vmem>>
      tpu.wait_dma2 semaphore(%arg12 : memref<!tpu.dma_semaphore, #tpu.memory_space<semaphore_mem>>) src(%dma_wait3A_642 : memref<128x64xf32, #tpu.memory_space<vmem>>) dst(%dma_wait3A_638 : memref<128x64xf32, #tpu.memory_space<hbm>>)
      %dma_wait3A_643 = arith.constant 0 : i32
      %dma_wait3A_644 = arith.constant 0 : i32
      %dma_wait3A_645 = arith.constant 0 : i32
      %dma_wait3A_646 = arith.constant 0 : i32
      %dma_wait3A_647 = tpu.memref_slice %arg7[%dma_wait3A_643, %dma_wait3A_645, %dma_wait3A_646] : memref<2x72x64xf32, #tpu.memory_space<vmem>> -> memref<1x72x64xf32, #tpu.memory_space<vmem>>
      %dma_wait3A_648 = tpu.memref_squeeze %dma_wait3A_647 : memref<1x72x64xf32, #tpu.memory_space<vmem>> -> memref<72x64xf32, #tpu.memory_space<vmem>>
      %dma_wait3A_649 = arith.constant 128 : i32
      %dma_wait3A_650 = arith.constant 0 : i32
      %dma_wait3A_651 = tpu.memref_slice %arg4[%dma_wait3A_644, %dma_wait3A_649, %dma_wait3A_650] : memref<1024x200x64xf32, #tpu.memory_space<hbm>> -> memref<1x72x64xf32, #tpu.memory_space<hbm>>
      %dma_wait3A_652 = tpu.memref_squeeze %dma_wait3A_651 : memref<1x72x64xf32, #tpu.memory_space<hbm>> -> memref<72x64xf32, #tpu.memory_space<hbm>>
      %dma_wait3A_653 = arith.constant 128 : i32
      %dma_wait3A_654 = arith.constant 0 : i32
      %dma_wait3A_655 = tpu.memref_slice %arg4[%dma_wait3A_644, %dma_wait3A_653, %dma_wait3A_654] : memref<1024x200x64xf32, #tpu.memory_space<hbm>> -> memref<1x72x64xf32, #tpu.memory_space<hbm>>
      %dma_wait3A_656 = tpu.memref_squeeze %dma_wait3A_655 : memref<1x72x64xf32, #tpu.memory_space<hbm>> -> memref<72x64xf32, #tpu.memory_space<hbm>>
      %dma_wait3A_657 = arith.constant 0 : i32
      %dma_wait3A_658 = arith.constant 0 : i32
      %dma_wait3A_659 = tpu.memref_slice %arg7[%dma_wait3A_643, %dma_wait3A_657, %dma_wait3A_658] : memref<2x72x64xf32, #tpu.memory_space<vmem>> -> memref<1x72x64xf32, #tpu.memory_space<vmem>>
      %dma_wait3A_660 = tpu.memref_squeeze %dma_wait3A_659 : memref<1x72x64xf32, #tpu.memory_space<vmem>> -> memref<72x64xf32, #tpu.memory_space<vmem>>
      tpu.wait_dma2 semaphore(%arg12 : memref<!tpu.dma_semaphore, #tpu.memory_space<semaphore_mem>>) src(%dma_wait3A_660 : memref<72x64xf32, #tpu.memory_space<vmem>>) dst(%dma_wait3A_656 : memref<72x64xf32, #tpu.memory_space<hbm>>)
      %dma_wait3A_661 = arith.constant 1 : i32
      %dma_wait3A_662 = arith.constant 0 : i32
      %dma_wait3A_663 = arith.constant 0 : i32
      %dma_wait3A_664 = arith.constant 0 : i32
      %dma_wait3A_665 = tpu.memref_slice %arg6[%dma_wait3A_661, %dma_wait3A_663, %dma_wait3A_664] : memref<2x128x64xf32, #tpu.memory_space<vmem>> -> memref<1x128x64xf32, #tpu.memory_space<vmem>>
      %dma_wait3A_666 = tpu.memref_squeeze %dma_wait3A_665 : memref<1x128x64xf32, #tpu.memory_space<vmem>> -> memref<128x64xf32, #tpu.memory_space<vmem>>
      %dma_wait3A_667 = arith.constant 0 : i32
      %dma_wait3A_668 = arith.constant 0 : i32
      %dma_wait3A_669 = tpu.memref_slice %arg4[%dma_wait3A_662, %dma_wait3A_667, %dma_wait3A_668] : memref<1024x200x64xf32, #tpu.memory_space<hbm>> -> memref<1x128x64xf32, #tpu.memory_space<hbm>>
      %dma_wait3A_670 = tpu.memref_squeeze %dma_wait3A_669 : memref<1x128x64xf32, #tpu.memory_space<hbm>> -> memref<128x64xf32, #tpu.memory_space<hbm>>
      %dma_wait3A_671 = arith.constant 0 : i32
      %dma_wait3A_672 = arith.constant 0 : i32
      %dma_wait3A_673 = tpu.memref_slice %arg4[%dma_wait3A_662, %dma_wait3A_671, %dma_wait3A_672] : memref<1024x200x64xf32, #tpu.memory_space<hbm>> -> memref<1x128x64xf32, #tpu.memory_space<hbm>>
      %dma_wait3A_674 = tpu.memref_squeeze %dma_wait3A_673 : memref<1x128x64xf32, #tpu.memory_space<hbm>> -> memref<128x64xf32, #tpu.memory_space<hbm>>
      %dma_wait3A_675 = arith.constant 0 : i32
      %dma_wait3A_676 = arith.constant 0 : i32
      %dma_wait3A_677 = tpu.memref_slice %arg6[%dma_wait3A_661, %dma_wait3A_675, %dma_wait3A_676] : memref<2x128x64xf32, #tpu.memory_space<vmem>> -> memref<1x128x64xf32, #tpu.memory_space<vmem>>
      %dma_wait3A_678 = tpu.memref_squeeze %dma_wait3A_677 : memref<1x128x64xf32, #tpu.memory_space<vmem>> -> memref<128x64xf32, #tpu.memory_space<vmem>>
      tpu.wait_dma2 semaphore(%arg12 : memref<!tpu.dma_semaphore, #tpu.memory_space<semaphore_mem>>) src(%dma_wait3A_678 : memref<128x64xf32, #tpu.memory_space<vmem>>) dst(%dma_wait3A_674 : memref<128x64xf32, #tpu.memory_space<hbm>>)
      %dma_wait3A_679 = arith.constant 1 : i32
      %dma_wait3A_680 = arith.constant 0 : i32
      %dma_wait3A_681 = arith.constant 0 : i32
      %dma_wait3A_682 = arith.constant 0 : i32
      %dma_wait3A_683 = tpu.memref_slice %arg7[%dma_wait3A_679, %dma_wait3A_681, %dma_wait3A_682] : memref<2x72x64xf32, #tpu.memory_space<vmem>> -> memref<1x72x64xf32, #tpu.memory_space<vmem>>
      %dma_wait3A_684 = tpu.memref_squeeze %dma_wait3A_683 : memref<1x72x64xf32, #tpu.memory_space<vmem>> -> memref<72x64xf32, #tpu.memory_space<vmem>>
      %dma_wait3A_685 = arith.constant 128 : i32
      %dma_wait3A_686 = arith.constant 0 : i32
      %dma_wait3A_687 = tpu.memref_slice %arg4[%dma_wait3A_680, %dma_wait3A_685, %dma_wait3A_686] : memref<1024x200x64xf32, #tpu.memory_space<hbm>> -> memref<1x72x64xf32, #tpu.memory_space<hbm>>
      %dma_wait3A_688 = tpu.memref_squeeze %dma_wait3A_687 : memref<1x72x64xf32, #tpu.memory_space<hbm>> -> memref<72x64xf32, #tpu.memory_space<hbm>>
      %dma_wait3A_689 = arith.constant 128 : i32
      %dma_wait3A_690 = arith.constant 0 : i32
      %dma_wait3A_691 = tpu.memref_slice %arg4[%dma_wait3A_680, %dma_wait3A_689, %dma_wait3A_690] : memref<1024x200x64xf32, #tpu.memory_space<hbm>> -> memref<1x72x64xf32, #tpu.memory_space<hbm>>
      %dma_wait3A_692 = tpu.memref_squeeze %dma_wait3A_691 : memref<1x72x64xf32, #tpu.memory_space<hbm>> -> memref<72x64xf32, #tpu.memory_space<hbm>>
      %dma_wait3A_693 = arith.constant 0 : i32
      %dma_wait3A_694 = arith.constant 0 : i32
      %dma_wait3A_695 = tpu.memref_slice %arg7[%dma_wait3A_679, %dma_wait3A_693, %dma_wait3A_694] : memref<2x72x64xf32, #tpu.memory_space<vmem>> -> memref<1x72x64xf32, #tpu.memory_space<vmem>>
      %dma_wait3A_696 = tpu.memref_squeeze %dma_wait3A_695 : memref<1x72x64xf32, #tpu.memory_space<vmem>> -> memref<72x64xf32, #tpu.memory_space<vmem>>
      tpu.wait_dma2 semaphore(%arg12 : memref<!tpu.dma_semaphore, #tpu.memory_space<semaphore_mem>>) src(%dma_wait3A_696 : memref<72x64xf32, #tpu.memory_space<vmem>>) dst(%dma_wait3A_692 : memref<72x64xf32, #tpu.memory_space<hbm>>)
      %add3A_697 = arith.constant 2 : i32
      %add3A_698 = arith.addi %mul3A_496, %add3A_697 : i32
      %mul3A_699 = arith.constant 2 : i32
      %mul3A_700 = arith.muli %add3A_698, %mul3A_699 : i32
      %add3A_701 = arith.constant 0 : i32
      %add3A_702 = arith.addi %mul3A_700, %add3A_701 : i32
      %dma_start3A_703 = arith.constant 0 : i32
      %dma_start3A_704 = arith.constant 0 : i32
      %dma_start3A_705 = arith.constant 0 : i32
      %dma_start3A_706 = tpu.memref_slice %arg6[%dma_start3A_703, %dma_start3A_704, %dma_start3A_705] : memref<2x128x64xf32, #tpu.memory_space<vmem>> -> memref<1x128x64xf32, #tpu.memory_space<vmem>>
      %dma_start3A_707 = tpu.memref_squeeze %dma_start3A_706 : memref<1x128x64xf32, #tpu.memory_space<vmem>> -> memref<128x64xf32, #tpu.memory_space<vmem>>
      %dma_start3A_708 = arith.constant 0 : i32
      %dma_start3A_709 = tpu.memref_slice %arg5[%add3A_702, %dma_start3A_708] : memref<32x200xi32, #tpu.memory_space<vmem>> -> memref<1x128xi32, #tpu.memory_space<vmem>>
      %dma_start3A_710 = tpu.memref_squeeze %dma_start3A_709 : memref<1x128xi32, #tpu.memory_space<vmem>> -> memref<128xi32, #tpu.memory_space<vmem>>
      %dma_start3A_711 = arith.constant 0 : i32
      %dma_start3A_712 = arith.constant 0 : i32
      %dma_start3A_713 = tpu.memref_slice %arg3[%dma_start3A_711, %dma_start3A_712] : memref<1000000x64xf32, #tpu.memory_space<hbm>> -> memref<1000000x64xf32, #tpu.memory_space<hbm>>
      tpu.enqueue_indirect_dma source(%dma_start3A_713 : memref<1000000x64xf32, #tpu.memory_space<hbm>>) target(%dma_start3A_707 : memref<128x64xf32, #tpu.memory_space<vmem>>) offsets(%dma_start3A_710 : memref<128xi32, #tpu.memory_space<vmem>>) semaphore(%arg10 : memref<!tpu.dma_semaphore, #tpu.memory_space<semaphore_mem>>)
      %dma_start3A_714 = arith.constant 0 : i32
      %dma_start3A_715 = arith.constant 0 : i32
      %dma_start3A_716 = arith.constant 0 : i32
      %dma_start3A_717 = tpu.memref_slice %arg7[%dma_start3A_714, %dma_start3A_715, %dma_start3A_716] : memref<2x72x64xf32, #tpu.memory_space<vmem>> -> memref<1x72x64xf32, #tpu.memory_space<vmem>>
      %dma_start3A_718 = tpu.memref_squeeze %dma_start3A_717 : memref<1x72x64xf32, #tpu.memory_space<vmem>> -> memref<72x64xf32, #tpu.memory_space<vmem>>
      %dma_start3A_719 = arith.constant 128 : i32
      %dma_start3A_720 = tpu.memref_slice %arg5[%add3A_702, %dma_start3A_719] : memref<32x200xi32, #tpu.memory_space<vmem>> -> memref<1x72xi32, #tpu.memory_space<vmem>>
      %dma_start3A_721 = tpu.memref_squeeze %dma_start3A_720 : memref<1x72xi32, #tpu.memory_space<vmem>> -> memref<72xi32, #tpu.memory_space<vmem>>
      %dma_start3A_722 = arith.constant 0 : i32
      %dma_start3A_723 = arith.constant 0 : i32
      %dma_start3A_724 = tpu.memref_slice %arg3[%dma_start3A_722, %dma_start3A_723] : memref<1000000x64xf32, #tpu.memory_space<hbm>> -> memref<1000000x64xf32, #tpu.memory_space<hbm>>
      tpu.enqueue_indirect_dma source(%dma_start3A_724 : memref<1000000x64xf32, #tpu.memory_space<hbm>>) target(%dma_start3A_718 : memref<72x64xf32, #tpu.memory_space<vmem>>) offsets(%dma_start3A_721 : memref<72xi32, #tpu.memory_space<vmem>>) semaphore(%arg10 : memref<!tpu.dma_semaphore, #tpu.memory_space<semaphore_mem>>)
      %mul3A_725 = arith.constant 2 : i32
      %mul3A_726 = arith.muli %add3A_698, %mul3A_725 : i32
      %add3A_727 = arith.constant 1 : i32
      %add3A_728 = arith.addi %mul3A_726, %add3A_727 : i32
      %dma_start3A_729 = arith.constant 1 : i32
      %dma_start3A_730 = arith.constant 0 : i32
      %dma_start3A_731 = arith.constant 0 : i32
      %dma_start3A_732 = tpu.memref_slice %arg6[%dma_start3A_729, %dma_start3A_730, %dma_start3A_731] : memref<2x128x64xf32, #tpu.memory_space<vmem>> -> memref<1x128x64xf32, #tpu.memory_space<vmem>>
      %dma_start3A_733 = tpu.memref_squeeze %dma_start3A_732 : memref<1x128x64xf32, #tpu.memory_space<vmem>> -> memref<128x64xf32, #tpu.memory_space<vmem>>
      %dma_start3A_734 = arith.constant 0 : i32
      %dma_start3A_735 = tpu.memref_slice %arg5[%add3A_728, %dma_start3A_734] : memref<32x200xi32, #tpu.memory_space<vmem>> -> memref<1x128xi32, #tpu.memory_space<vmem>>
      %dma_start3A_736 = tpu.memref_squeeze %dma_start3A_735 : memref<1x128xi32, #tpu.memory_space<vmem>> -> memref<128xi32, #tpu.memory_space<vmem>>
      %dma_start3A_737 = arith.constant 0 : i32
      %dma_start3A_738 = arith.constant 0 : i32
      %dma_start3A_739 = tpu.memref_slice %arg3[%dma_start3A_737, %dma_start3A_738] : memref<1000000x64xf32, #tpu.memory_space<hbm>> -> memref<1000000x64xf32, #tpu.memory_space<hbm>>
      tpu.enqueue_indirect_dma source(%dma_start3A_739 : memref<1000000x64xf32, #tpu.memory_space<hbm>>) target(%dma_start3A_733 : memref<128x64xf32, #tpu.memory_space<vmem>>) offsets(%dma_start3A_736 : memref<128xi32, #tpu.memory_space<vmem>>) semaphore(%arg10 : memref<!tpu.dma_semaphore, #tpu.memory_space<semaphore_mem>>)
      %dma_start3A_740 = arith.constant 1 : i32
      %dma_start3A_741 = arith.constant 0 : i32
      %dma_start3A_742 = arith.constant 0 : i32
      %dma_start3A_743 = tpu.memref_slice %arg7[%dma_start3A_740, %dma_start3A_741, %dma_start3A_742] : memref<2x72x64xf32, #tpu.memory_space<vmem>> -> memref<1x72x64xf32, #tpu.memory_space<vmem>>
      %dma_start3A_744 = tpu.memref_squeeze %dma_start3A_743 : memref<1x72x64xf32, #tpu.memory_space<vmem>> -> memref<72x64xf32, #tpu.memory_space<vmem>>
      %dma_start3A_745 = arith.constant 128 : i32
      %dma_start3A_746 = tpu.memref_slice %arg5[%add3A_728, %dma_start3A_745] : memref<32x200xi32, #tpu.memory_space<vmem>> -> memref<1x72xi32, #tpu.memory_space<vmem>>
      %dma_start3A_747 = tpu.memref_squeeze %dma_start3A_746 : memref<1x72xi32, #tpu.memory_space<vmem>> -> memref<72xi32, #tpu.memory_space<vmem>>
      %dma_start3A_748 = arith.constant 0 : i32
      %dma_start3A_749 = arith.constant 0 : i32
      %dma_start3A_750 = tpu.memref_slice %arg3[%dma_start3A_748, %dma_start3A_749] : memref<1000000x64xf32, #tpu.memory_space<hbm>> -> memref<1000000x64xf32, #tpu.memory_space<hbm>>
      tpu.enqueue_indirect_dma source(%dma_start3A_750 : memref<1000000x64xf32, #tpu.memory_space<hbm>>) target(%dma_start3A_744 : memref<72x64xf32, #tpu.memory_space<vmem>>) offsets(%dma_start3A_747 : memref<72xi32, #tpu.memory_space<vmem>>) semaphore(%arg10 : memref<!tpu.dma_semaphore, #tpu.memory_space<semaphore_mem>>)
      %dma_wait3A_751 = arith.constant 0 : i32
      %dma_wait3A_752 = arith.constant 0 : i32
      %dma_wait3A_753 = arith.constant 0 : i32
      %dma_wait3A_754 = arith.constant 0 : i32
      %dma_wait3A_755 = tpu.memref_slice %arg8[%dma_wait3A_752, %dma_wait3A_753, %dma_wait3A_754] : memref<2x128x64xf32, #tpu.memory_space<vmem>> -> memref<1x128x64xf32, #tpu.memory_space<vmem>>
      %dma_wait3A_756 = tpu.memref_squeeze %dma_wait3A_755 : memref<1x128x64xf32, #tpu.memory_space<vmem>> -> memref<128x64xf32, #tpu.memory_space<vmem>>
      %dma_wait3A_757 = arith.constant 0 : i32
      %dma_wait3A_758 = tpu.memref_slice %arg5[%dma_wait3A_751, %dma_wait3A_757] : memref<32x200xi32, #tpu.memory_space<vmem>> -> memref<1x128xi32, #tpu.memory_space<vmem>>
      %dma_wait3A_759 = tpu.memref_squeeze %dma_wait3A_758 : memref<1x128xi32, #tpu.memory_space<vmem>> -> memref<128xi32, #tpu.memory_space<vmem>>
      %dma_wait3A_760 = arith.constant 0 : i32
      %dma_wait3A_761 = arith.constant 0 : i32
      %dma_wait3A_762 = tpu.memref_slice %arg3[%dma_wait3A_760, %dma_wait3A_761] : memref<1000000x64xf32, #tpu.memory_space<hbm>> -> memref<1000000x64xf32, #tpu.memory_space<hbm>>
      tpu.wait_indirect_dma semaphore(%arg11 : memref<!tpu.dma_semaphore, #tpu.memory_space<semaphore_mem>>) src(%dma_wait3A_762 : memref<1000000x64xf32, #tpu.memory_space<hbm>>) dst(%dma_wait3A_756 : memref<128x64xf32, #tpu.memory_space<vmem>>)
      %dma_wait3A_763 = arith.constant 0 : i32
      %dma_wait3A_764 = arith.constant 0 : i32
      %dma_wait3A_765 = arith.constant 0 : i32
      %dma_wait3A_766 = arith.constant 0 : i32
      %dma_wait3A_767 = tpu.memref_slice %arg9[%dma_wait3A_764, %dma_wait3A_765, %dma_wait3A_766] : memref<2x72x64xf32, #tpu.memory_space<vmem>> -> memref<1x72x64xf32, #tpu.memory_space<vmem>>
      %dma_wait3A_768 = tpu.memref_squeeze %dma_wait3A_767 : memref<1x72x64xf32, #tpu.memory_space<vmem>> -> memref<72x64xf32, #tpu.memory_space<vmem>>
      %dma_wait3A_769 = arith.constant 128 : i32
      %dma_wait3A_770 = tpu.memref_slice %arg5[%dma_wait3A_763, %dma_wait3A_769] : memref<32x200xi32, #tpu.memory_space<vmem>> -> memref<1x72xi32, #tpu.memory_space<vmem>>
      %dma_wait3A_771 = tpu.memref_squeeze %dma_wait3A_770 : memref<1x72xi32, #tpu.memory_space<vmem>> -> memref<72xi32, #tpu.memory_space<vmem>>
      %dma_wait3A_772 = arith.constant 0 : i32
      %dma_wait3A_773 = arith.constant 0 : i32
      %dma_wait3A_774 = tpu.memref_slice %arg3[%dma_wait3A_772, %dma_wait3A_773] : memref<1000000x64xf32, #tpu.memory_space<hbm>> -> memref<1000000x64xf32, #tpu.memory_space<hbm>>
      tpu.wait_indirect_dma semaphore(%arg11 : memref<!tpu.dma_semaphore, #tpu.memory_space<semaphore_mem>>) src(%dma_wait3A_774 : memref<1000000x64xf32, #tpu.memory_space<hbm>>) dst(%dma_wait3A_768 : memref<72x64xf32, #tpu.memory_space<vmem>>)
      %dma_wait3A_775 = arith.constant 0 : i32
      %dma_wait3A_776 = arith.constant 1 : i32
      %dma_wait3A_777 = arith.constant 0 : i32
      %dma_wait3A_778 = arith.constant 0 : i32
      %dma_wait3A_779 = tpu.memref_slice %arg8[%dma_wait3A_776, %dma_wait3A_777, %dma_wait3A_778] : memref<2x128x64xf32, #tpu.memory_space<vmem>> -> memref<1x128x64xf32, #tpu.memory_space<vmem>>
      %dma_wait3A_780 = tpu.memref_squeeze %dma_wait3A_779 : memref<1x128x64xf32, #tpu.memory_space<vmem>> -> memref<128x64xf32, #tpu.memory_space<vmem>>
      %dma_wait3A_781 = arith.constant 0 : i32
      %dma_wait3A_782 = tpu.memref_slice %arg5[%dma_wait3A_775, %dma_wait3A_781] : memref<32x200xi32, #tpu.memory_space<vmem>> -> memref<1x128xi32, #tpu.memory_space<vmem>>
      %dma_wait3A_783 = tpu.memref_squeeze %dma_wait3A_782 : memref<1x128xi32, #tpu.memory_space<vmem>> -> memref<128xi32, #tpu.memory_space<vmem>>
      %dma_wait3A_784 = arith.constant 0 : i32
      %dma_wait3A_785 = arith.constant 0 : i32
      %dma_wait3A_786 = tpu.memref_slice %arg3[%dma_wait3A_784, %dma_wait3A_785] : memref<1000000x64xf32, #tpu.memory_space<hbm>> -> memref<1000000x64xf32, #tpu.memory_space<hbm>>
      tpu.wait_indirect_dma semaphore(%arg11 : memref<!tpu.dma_semaphore, #tpu.memory_space<semaphore_mem>>) src(%dma_wait3A_786 : memref<1000000x64xf32, #tpu.memory_space<hbm>>) dst(%dma_wait3A_780 : memref<128x64xf32, #tpu.memory_space<vmem>>)
      %dma_wait3A_787 = arith.constant 0 : i32
      %dma_wait3A_788 = arith.constant 1 : i32
      %dma_wait3A_789 = arith.constant 0 : i32
      %dma_wait3A_790 = arith.constant 0 : i32
      %dma_wait3A_791 = tpu.memref_slice %arg9[%dma_wait3A_788, %dma_wait3A_789, %dma_wait3A_790] : memref<2x72x64xf32, #tpu.memory_space<vmem>> -> memref<1x72x64xf32, #tpu.memory_space<vmem>>
      %dma_wait3A_792 = tpu.memref_squeeze %dma_wait3A_791 : memref<1x72x64xf32, #tpu.memory_space<vmem>> -> memref<72x64xf32, #tpu.memory_space<vmem>>
      %dma_wait3A_793 = arith.constant 128 : i32
      %dma_wait3A_794 = tpu.memref_slice %arg5[%dma_wait3A_787, %dma_wait3A_793] : memref<32x200xi32, #tpu.memory_space<vmem>> -> memref<1x72xi32, #tpu.memory_space<vmem>>
      %dma_wait3A_795 = tpu.memref_squeeze %dma_wait3A_794 : memref<1x72xi32, #tpu.memory_space<vmem>> -> memref<72xi32, #tpu.memory_space<vmem>>
      %dma_wait3A_796 = arith.constant 0 : i32
      %dma_wait3A_797 = arith.constant 0 : i32
      %dma_wait3A_798 = tpu.memref_slice %arg3[%dma_wait3A_796, %dma_wait3A_797] : memref<1000000x64xf32, #tpu.memory_space<hbm>> -> memref<1000000x64xf32, #tpu.memory_space<hbm>>
      tpu.wait_indirect_dma semaphore(%arg11 : memref<!tpu.dma_semaphore, #tpu.memory_space<semaphore_mem>>) src(%dma_wait3A_798 : memref<1000000x64xf32, #tpu.memory_space<hbm>>) dst(%dma_wait3A_792 : memref<72x64xf32, #tpu.memory_space<vmem>>)
      %mul3A_799 = arith.constant 2 : i32
      %mul3A_800 = arith.muli %add3A_498, %mul3A_799 : i32
      %add3A_801 = arith.addi %mul3A_2, %mul3A_800 : i32
      %add3A_802 = arith.constant 0 : i32
      %add3A_803 = arith.addi %add3A_801, %add3A_802 : i32
      %dma_start3A_804 = arith.constant 0 : i32
      %dma_start3A_805 = arith.constant 0 : i32
      %dma_start3A_806 = arith.constant 0 : i32
      %dma_start3A_807 = tpu.memref_slice %arg8[%dma_start3A_804, %dma_start3A_805, %dma_start3A_806] : memref<2x128x64xf32, #tpu.memory_space<vmem>> -> memref<1x128x64xf32, #tpu.memory_space<vmem>>
      %dma_start3A_808 = tpu.memref_squeeze %dma_start3A_807 : memref<1x128x64xf32, #tpu.memory_space<vmem>> -> memref<128x64xf32, #tpu.memory_space<vmem>>
      %dma_start3A_809 = arith.constant 0 : i32
      %dma_start3A_810 = arith.constant 0 : i32
      %dma_start3A_811 = tpu.memref_slice %arg4[%add3A_803, %dma_start3A_809, %dma_start3A_810] : memref<1024x200x64xf32, #tpu.memory_space<hbm>> -> memref<1x128x64xf32, #tpu.memory_space<hbm>>
      %dma_start3A_812 = tpu.memref_squeeze %dma_start3A_811 : memref<1x128x64xf32, #tpu.memory_space<hbm>> -> memref<128x64xf32, #tpu.memory_space<hbm>>
      %dma_start3A_813 = arith.constant 0 : i32
      %dma_start3A_814 = arith.constant 0 : i32
      %dma_start3A_815 = tpu.memref_slice %arg4[%add3A_803, %dma_start3A_813, %dma_start3A_814] : memref<1024x200x64xf32, #tpu.memory_space<hbm>> -> memref<1x128x64xf32, #tpu.memory_space<hbm>>
      %dma_start3A_816 = tpu.memref_squeeze %dma_start3A_815 : memref<1x128x64xf32, #tpu.memory_space<hbm>> -> memref<128x64xf32, #tpu.memory_space<hbm>>
      %dma_start3A_817 = arith.constant 0 : i32
      %dma_start3A_818 = arith.constant 0 : i32
      %dma_start3A_819 = tpu.memref_slice %arg8[%dma_start3A_804, %dma_start3A_817, %dma_start3A_818] : memref<2x128x64xf32, #tpu.memory_space<vmem>> -> memref<1x128x64xf32, #tpu.memory_space<vmem>>
      %dma_start3A_820 = tpu.memref_squeeze %dma_start3A_819 : memref<1x128x64xf32, #tpu.memory_space<vmem>> -> memref<128x64xf32, #tpu.memory_space<vmem>>
      tpu.enqueue_dma source(%dma_start3A_820 : memref<128x64xf32, #tpu.memory_space<vmem>>) target(%dma_start3A_816 : memref<128x64xf32, #tpu.memory_space<hbm>>) target_semaphore(%arg13 : memref<!tpu.dma_semaphore, #tpu.memory_space<semaphore_mem>>)
      %dma_start3A_821 = arith.constant 0 : i32
      %dma_start3A_822 = arith.constant 0 : i32
      %dma_start3A_823 = arith.constant 0 : i32
      %dma_start3A_824 = tpu.memref_slice %arg9[%dma_start3A_821, %dma_start3A_822, %dma_start3A_823] : memref<2x72x64xf32, #tpu.memory_space<vmem>> -> memref<1x72x64xf32, #tpu.memory_space<vmem>>
      %dma_start3A_825 = tpu.memref_squeeze %dma_start3A_824 : memref<1x72x64xf32, #tpu.memory_space<vmem>> -> memref<72x64xf32, #tpu.memory_space<vmem>>
      %dma_start3A_826 = arith.constant 128 : i32
      %dma_start3A_827 = arith.constant 0 : i32
      %dma_start3A_828 = tpu.memref_slice %arg4[%add3A_803, %dma_start3A_826, %dma_start3A_827] : memref<1024x200x64xf32, #tpu.memory_space<hbm>> -> memref<1x72x64xf32, #tpu.memory_space<hbm>>
      %dma_start3A_829 = tpu.memref_squeeze %dma_start3A_828 : memref<1x72x64xf32, #tpu.memory_space<hbm>> -> memref<72x64xf32, #tpu.memory_space<hbm>>
      %dma_start3A_830 = arith.constant 128 : i32
      %dma_start3A_831 = arith.constant 0 : i32
      %dma_start3A_832 = tpu.memref_slice %arg4[%add3A_803, %dma_start3A_830, %dma_start3A_831] : memref<1024x200x64xf32, #tpu.memory_space<hbm>> -> memref<1x72x64xf32, #tpu.memory_space<hbm>>
      %dma_start3A_833 = tpu.memref_squeeze %dma_start3A_832 : memref<1x72x64xf32, #tpu.memory_space<hbm>> -> memref<72x64xf32, #tpu.memory_space<hbm>>
      %dma_start3A_834 = arith.constant 0 : i32
      %dma_start3A_835 = arith.constant 0 : i32
      %dma_start3A_836 = tpu.memref_slice %arg9[%dma_start3A_821, %dma_start3A_834, %dma_start3A_835] : memref<2x72x64xf32, #tpu.memory_space<vmem>> -> memref<1x72x64xf32, #tpu.memory_space<vmem>>
      %dma_start3A_837 = tpu.memref_squeeze %dma_start3A_836 : memref<1x72x64xf32, #tpu.memory_space<vmem>> -> memref<72x64xf32, #tpu.memory_space<vmem>>
      tpu.enqueue_dma source(%dma_start3A_837 : memref<72x64xf32, #tpu.memory_space<vmem>>) target(%dma_start3A_833 : memref<72x64xf32, #tpu.memory_space<hbm>>) target_semaphore(%arg13 : memref<!tpu.dma_semaphore, #tpu.memory_space<semaphore_mem>>)
      %mul3A_838 = arith.constant 2 : i32
      %mul3A_839 = arith.muli %add3A_498, %mul3A_838 : i32
      %add3A_840 = arith.addi %mul3A_2, %mul3A_839 : i32
      %add3A_841 = arith.constant 1 : i32
      %add3A_842 = arith.addi %add3A_840, %add3A_841 : i32
      %dma_start3A_843 = arith.constant 1 : i32
      %dma_start3A_844 = arith.constant 0 : i32
      %dma_start3A_845 = arith.constant 0 : i32
      %dma_start3A_846 = tpu.memref_slice %arg8[%dma_start3A_843, %dma_start3A_844, %dma_start3A_845] : memref<2x128x64xf32, #tpu.memory_space<vmem>> -> memref<1x128x64xf32, #tpu.memory_space<vmem>>
      %dma_start3A_847 = tpu.memref_squeeze %dma_start3A_846 : memref<1x128x64xf32, #tpu.memory_space<vmem>> -> memref<128x64xf32, #tpu.memory_space<vmem>>
      %dma_start3A_848 = arith.constant 0 : i32
      %dma_start3A_849 = arith.constant 0 : i32
      %dma_start3A_850 = tpu.memref_slice %arg4[%add3A_842, %dma_start3A_848, %dma_start3A_849] : memref<1024x200x64xf32, #tpu.memory_space<hbm>> -> memref<1x128x64xf32, #tpu.memory_space<hbm>>
      %dma_start3A_851 = tpu.memref_squeeze %dma_start3A_850 : memref<1x128x64xf32, #tpu.memory_space<hbm>> -> memref<128x64xf32, #tpu.memory_space<hbm>>
      %dma_start3A_852 = arith.constant 0 : i32
      %dma_start3A_853 = arith.constant 0 : i32
      %dma_start3A_854 = tpu.memref_slice %arg4[%add3A_842, %dma_start3A_852, %dma_start3A_853] : memref<1024x200x64xf32, #tpu.memory_space<hbm>> -> memref<1x128x64xf32, #tpu.memory_space<hbm>>
      %dma_start3A_855 = tpu.memref_squeeze %dma_start3A_854 : memref<1x128x64xf32, #tpu.memory_space<hbm>> -> memref<128x64xf32, #tpu.memory_space<hbm>>
      %dma_start3A_856 = arith.constant 0 : i32
      %dma_start3A_857 = arith.constant 0 : i32
      %dma_start3A_858 = tpu.memref_slice %arg8[%dma_start3A_843, %dma_start3A_856, %dma_start3A_857] : memref<2x128x64xf32, #tpu.memory_space<vmem>> -> memref<1x128x64xf32, #tpu.memory_space<vmem>>
      %dma_start3A_859 = tpu.memref_squeeze %dma_start3A_858 : memref<1x128x64xf32, #tpu.memory_space<vmem>> -> memref<128x64xf32, #tpu.memory_space<vmem>>
      tpu.enqueue_dma source(%dma_start3A_859 : memref<128x64xf32, #tpu.memory_space<vmem>>) target(%dma_start3A_855 : memref<128x64xf32, #tpu.memory_space<hbm>>) target_semaphore(%arg13 : memref<!tpu.dma_semaphore, #tpu.memory_space<semaphore_mem>>)
      %dma_start3A_860 = arith.constant 1 : i32
      %dma_start3A_861 = arith.constant 0 : i32
      %dma_start3A_862 = arith.constant 0 : i32
      %dma_start3A_863 = tpu.memref_slice %arg9[%dma_start3A_860, %dma_start3A_861, %dma_start3A_862] : memref<2x72x64xf32, #tpu.memory_space<vmem>> -> memref<1x72x64xf32, #tpu.memory_space<vmem>>
      %dma_start3A_864 = tpu.memref_squeeze %dma_start3A_863 : memref<1x72x64xf32, #tpu.memory_space<vmem>> -> memref<72x64xf32, #tpu.memory_space<vmem>>
      %dma_start3A_865 = arith.constant 128 : i32
      %dma_start3A_866 = arith.constant 0 : i32
      %dma_start3A_867 = tpu.memref_slice %arg4[%add3A_842, %dma_start3A_865, %dma_start3A_866] : memref<1024x200x64xf32, #tpu.memory_space<hbm>> -> memref<1x72x64xf32, #tpu.memory_space<hbm>>
      %dma_start3A_868 = tpu.memref_squeeze %dma_start3A_867 : memref<1x72x64xf32, #tpu.memory_space<hbm>> -> memref<72x64xf32, #tpu.memory_space<hbm>>
      %dma_start3A_869 = arith.constant 128 : i32
      %dma_start3A_870 = arith.constant 0 : i32
      %dma_start3A_871 = tpu.memref_slice %arg4[%add3A_842, %dma_start3A_869, %dma_start3A_870] : memref<1024x200x64xf32, #tpu.memory_space<hbm>> -> memref<1x72x64xf32, #tpu.memory_space<hbm>>
      %dma_start3A_872 = tpu.memref_squeeze %dma_start3A_871 : memref<1x72x64xf32, #tpu.memory_space<hbm>> -> memref<72x64xf32, #tpu.memory_space<hbm>>
      %dma_start3A_873 = arith.constant 0 : i32
      %dma_start3A_874 = arith.constant 0 : i32
      %dma_start3A_875 = tpu.memref_slice %arg9[%dma_start3A_860, %dma_start3A_873, %dma_start3A_874] : memref<2x72x64xf32, #tpu.memory_space<vmem>> -> memref<1x72x64xf32, #tpu.memory_space<vmem>>
      %dma_start3A_876 = tpu.memref_squeeze %dma_start3A_875 : memref<1x72x64xf32, #tpu.memory_space<vmem>> -> memref<72x64xf32, #tpu.memory_space<vmem>>
      tpu.enqueue_dma source(%dma_start3A_876 : memref<72x64xf32, #tpu.memory_space<vmem>>) target(%dma_start3A_872 : memref<72x64xf32, #tpu.memory_space<hbm>>) target_semaphore(%arg13 : memref<!tpu.dma_semaphore, #tpu.memory_space<semaphore_mem>>)
      %dma_wait3A_877 = arith.constant 0 : i32
      %dma_wait3A_878 = arith.constant 0 : i32
      %dma_wait3A_879 = arith.constant 0 : i32
      %dma_wait3A_880 = arith.constant 0 : i32
      %dma_wait3A_881 = tpu.memref_slice %arg8[%dma_wait3A_877, %dma_wait3A_879, %dma_wait3A_880] : memref<2x128x64xf32, #tpu.memory_space<vmem>> -> memref<1x128x64xf32, #tpu.memory_space<vmem>>
      %dma_wait3A_882 = tpu.memref_squeeze %dma_wait3A_881 : memref<1x128x64xf32, #tpu.memory_space<vmem>> -> memref<128x64xf32, #tpu.memory_space<vmem>>
      %dma_wait3A_883 = arith.constant 0 : i32
      %dma_wait3A_884 = arith.constant 0 : i32
      %dma_wait3A_885 = tpu.memref_slice %arg4[%dma_wait3A_878, %dma_wait3A_883, %dma_wait3A_884] : memref<1024x200x64xf32, #tpu.memory_space<hbm>> -> memref<1x128x64xf32, #tpu.memory_space<hbm>>
      %dma_wait3A_886 = tpu.memref_squeeze %dma_wait3A_885 : memref<1x128x64xf32, #tpu.memory_space<hbm>> -> memref<128x64xf32, #tpu.memory_space<hbm>>
      %dma_wait3A_887 = arith.constant 0 : i32
      %dma_wait3A_888 = arith.constant 0 : i32
      %dma_wait3A_889 = tpu.memref_slice %arg4[%dma_wait3A_878, %dma_wait3A_887, %dma_wait3A_888] : memref<1024x200x64xf32, #tpu.memory_space<hbm>> -> memref<1x128x64xf32, #tpu.memory_space<hbm>>
      %dma_wait3A_890 = tpu.memref_squeeze %dma_wait3A_889 : memref<1x128x64xf32, #tpu.memory_space<hbm>> -> memref<128x64xf32, #tpu.memory_space<hbm>>
      %dma_wait3A_891 = arith.constant 0 : i32
      %dma_wait3A_892 = arith.constant 0 : i32
      %dma_wait3A_893 = tpu.memref_slice %arg8[%dma_wait3A_877, %dma_wait3A_891, %dma_wait3A_892] : memref<2x128x64xf32, #tpu.memory_space<vmem>> -> memref<1x128x64xf32, #tpu.memory_space<vmem>>
      %dma_wait3A_894 = tpu.memref_squeeze %dma_wait3A_893 : memref<1x128x64xf32, #tpu.memory_space<vmem>> -> memref<128x64xf32, #tpu.memory_space<vmem>>
      tpu.wait_dma2 semaphore(%arg13 : memref<!tpu.dma_semaphore, #tpu.memory_space<semaphore_mem>>) src(%dma_wait3A_894 : memref<128x64xf32, #tpu.memory_space<vmem>>) dst(%dma_wait3A_890 : memref<128x64xf32, #tpu.memory_space<hbm>>)
      %dma_wait3A_895 = arith.constant 0 : i32
      %dma_wait3A_896 = arith.constant 0 : i32
      %dma_wait3A_897 = arith.constant 0 : i32
      %dma_wait3A_898 = arith.constant 0 : i32
      %dma_wait3A_899 = tpu.memref_slice %arg9[%dma_wait3A_895, %dma_wait3A_897, %dma_wait3A_898] : memref<2x72x64xf32, #tpu.memory_space<vmem>> -> memref<1x72x64xf32, #tpu.memory_space<vmem>>
      %dma_wait3A_900 = tpu.memref_squeeze %dma_wait3A_899 : memref<1x72x64xf32, #tpu.memory_space<vmem>> -> memref<72x64xf32, #tpu.memory_space<vmem>>
      %dma_wait3A_901 = arith.constant 128 : i32
      %dma_wait3A_902 = arith.constant 0 : i32
      %dma_wait3A_903 = tpu.memref_slice %arg4[%dma_wait3A_896, %dma_wait3A_901, %dma_wait3A_902] : memref<1024x200x64xf32, #tpu.memory_space<hbm>> -> memref<1x72x64xf32, #tpu.memory_space<hbm>>
      %dma_wait3A_904 = tpu.memref_squeeze %dma_wait3A_903 : memref<1x72x64xf32, #tpu.memory_space<hbm>> -> memref<72x64xf32, #tpu.memory_space<hbm>>
      %dma_wait3A_905 = arith.constant 128 : i32
      %dma_wait3A_906 = arith.constant 0 : i32
      %dma_wait3A_907 = tpu.memref_slice %arg4[%dma_wait3A_896, %dma_wait3A_905, %dma_wait3A_906] : memref<1024x200x64xf32, #tpu.memory_space<hbm>> -> memref<1x72x64xf32, #tpu.memory_space<hbm>>
      %dma_wait3A_908 = tpu.memref_squeeze %dma_wait3A_907 : memref<1x72x64xf32, #tpu.memory_space<hbm>> -> memref<72x64xf32, #tpu.memory_space<hbm>>
      %dma_wait3A_909 = arith.constant 0 : i32
      %dma_wait3A_910 = arith.constant 0 : i32
      %dma_wait3A_911 = tpu.memref_slice %arg9[%dma_wait3A_895, %dma_wait3A_909, %dma_wait3A_910] : memref<2x72x64xf32, #tpu.memory_space<vmem>> -> memref<1x72x64xf32, #tpu.memory_space<vmem>>
      %dma_wait3A_912 = tpu.memref_squeeze %dma_wait3A_911 : memref<1x72x64xf32, #tpu.memory_space<vmem>> -> memref<72x64xf32, #tpu.memory_space<vmem>>
      tpu.wait_dma2 semaphore(%arg13 : memref<!tpu.dma_semaphore, #tpu.memory_space<semaphore_mem>>) src(%dma_wait3A_912 : memref<72x64xf32, #tpu.memory_space<vmem>>) dst(%dma_wait3A_908 : memref<72x64xf32, #tpu.memory_space<hbm>>)
      %dma_wait3A_913 = arith.constant 1 : i32
      %dma_wait3A_914 = arith.constant 0 : i32
      %dma_wait3A_915 = arith.constant 0 : i32
      %dma_wait3A_916 = arith.constant 0 : i32
      %dma_wait3A_917 = tpu.memref_slice %arg8[%dma_wait3A_913, %dma_wait3A_915, %dma_wait3A_916] : memref<2x128x64xf32, #tpu.memory_space<vmem>> -> memref<1x128x64xf32, #tpu.memory_space<vmem>>
      %dma_wait3A_918 = tpu.memref_squeeze %dma_wait3A_917 : memref<1x128x64xf32, #tpu.memory_space<vmem>> -> memref<128x64xf32, #tpu.memory_space<vmem>>
      %dma_wait3A_919 = arith.constant 0 : i32
      %dma_wait3A_920 = arith.constant 0 : i32
      %dma_wait3A_921 = tpu.memref_slice %arg4[%dma_wait3A_914, %dma_wait3A_919, %dma_wait3A_920] : memref<1024x200x64xf32, #tpu.memory_space<hbm>> -> memref<1x128x64xf32, #tpu.memory_space<hbm>>
      %dma_wait3A_922 = tpu.memref_squeeze %dma_wait3A_921 : memref<1x128x64xf32, #tpu.memory_space<hbm>> -> memref<128x64xf32, #tpu.memory_space<hbm>>
      %dma_wait3A_923 = arith.constant 0 : i32
      %dma_wait3A_924 = arith.constant 0 : i32
      %dma_wait3A_925 = tpu.memref_slice %arg4[%dma_wait3A_914, %dma_wait3A_923, %dma_wait3A_924] : memref<1024x200x64xf32, #tpu.memory_space<hbm>> -> memref<1x128x64xf32, #tpu.memory_space<hbm>>
      %dma_wait3A_926 = tpu.memref_squeeze %dma_wait3A_925 : memref<1x128x64xf32, #tpu.memory_space<hbm>> -> memref<128x64xf32, #tpu.memory_space<hbm>>
      %dma_wait3A_927 = arith.constant 0 : i32
      %dma_wait3A_928 = arith.constant 0 : i32
      %dma_wait3A_929 = tpu.memref_slice %arg8[%dma_wait3A_913, %dma_wait3A_927, %dma_wait3A_928] : memref<2x128x64xf32, #tpu.memory_space<vmem>> -> memref<1x128x64xf32, #tpu.memory_space<vmem>>
      %dma_wait3A_930 = tpu.memref_squeeze %dma_wait3A_929 : memref<1x128x64xf32, #tpu.memory_space<vmem>> -> memref<128x64xf32, #tpu.memory_space<vmem>>
      tpu.wait_dma2 semaphore(%arg13 : memref<!tpu.dma_semaphore, #tpu.memory_space<semaphore_mem>>) src(%dma_wait3A_930 : memref<128x64xf32, #tpu.memory_space<vmem>>) dst(%dma_wait3A_926 : memref<128x64xf32, #tpu.memory_space<hbm>>)
      %dma_wait3A_931 = arith.constant 1 : i32
      %dma_wait3A_932 = arith.constant 0 : i32
      %dma_wait3A_933 = arith.constant 0 : i32
      %dma_wait3A_934 = arith.constant 0 : i32
      %dma_wait3A_935 = tpu.memref_slice %arg9[%dma_wait3A_931, %dma_wait3A_933, %dma_wait3A_934] : memref<2x72x64xf32, #tpu.memory_space<vmem>> -> memref<1x72x64xf32, #tpu.memory_space<vmem>>
      %dma_wait3A_936 = tpu.memref_squeeze %dma_wait3A_935 : memref<1x72x64xf32, #tpu.memory_space<vmem>> -> memref<72x64xf32, #tpu.memory_space<vmem>>
      %dma_wait3A_937 = arith.constant 128 : i32
      %dma_wait3A_938 = arith.constant 0 : i32
      %dma_wait3A_939 = tpu.memref_slice %arg4[%dma_wait3A_932, %dma_wait3A_937, %dma_wait3A_938] : memref<1024x200x64xf32, #tpu.memory_space<hbm>> -> memref<1x72x64xf32, #tpu.memory_space<hbm>>
      %dma_wait3A_940 = tpu.memref_squeeze %dma_wait3A_939 : memref<1x72x64xf32, #tpu.memory_space<hbm>> -> memref<72x64xf32, #tpu.memory_space<hbm>>
      %dma_wait3A_941 = arith.constant 128 : i32
      %dma_wait3A_942 = arith.constant 0 : i32
      %dma_wait3A_943 = tpu.memref_slice %arg4[%dma_wait3A_932, %dma_wait3A_941, %dma_wait3A_942] : memref<1024x200x64xf32, #tpu.memory_space<hbm>> -> memref<1x72x64xf32, #tpu.memory_space<hbm>>
      %dma_wait3A_944 = tpu.memref_squeeze %dma_wait3A_943 : memref<1x72x64xf32, #tpu.memory_space<hbm>> -> memref<72x64xf32, #tpu.memory_space<hbm>>
      %dma_wait3A_945 = arith.constant 0 : i32
      %dma_wait3A_946 = arith.constant 0 : i32
      %dma_wait3A_947 = tpu.memref_slice %arg9[%dma_wait3A_931, %dma_wait3A_945, %dma_wait3A_946] : memref<2x72x64xf32, #tpu.memory_space<vmem>> -> memref<1x72x64xf32, #tpu.memory_space<vmem>>
      %dma_wait3A_948 = tpu.memref_squeeze %dma_wait3A_947 : memref<1x72x64xf32, #tpu.memory_space<vmem>> -> memref<72x64xf32, #tpu.memory_space<vmem>>
      tpu.wait_dma2 semaphore(%arg13 : memref<!tpu.dma_semaphore, #tpu.memory_space<semaphore_mem>>) src(%dma_wait3A_948 : memref<72x64xf32, #tpu.memory_space<vmem>>) dst(%dma_wait3A_944 : memref<72x64xf32, #tpu.memory_space<hbm>>)
      %add3A_949 = arith.constant 2 : i32
      %add3A_950 = arith.addi %add3A_498, %add3A_949 : i32
      %mul3A_951 = arith.constant 2 : i32
      %mul3A_952 = arith.muli %add3A_950, %mul3A_951 : i32
      %add3A_953 = arith.constant 0 : i32
      %add3A_954 = arith.addi %mul3A_952, %add3A_953 : i32
      %dma_start3A_955 = arith.constant 0 : i32
      %dma_start3A_956 = arith.constant 0 : i32
      %dma_start3A_957 = arith.constant 0 : i32
      %dma_start3A_958 = tpu.memref_slice %arg8[%dma_start3A_955, %dma_start3A_956, %dma_start3A_957] : memref<2x128x64xf32, #tpu.memory_space<vmem>> -> memref<1x128x64xf32, #tpu.memory_space<vmem>>
      %dma_start3A_959 = tpu.memref_squeeze %dma_start3A_958 : memref<1x128x64xf32, #tpu.memory_space<vmem>> -> memref<128x64xf32, #tpu.memory_space<vmem>>
      %dma_start3A_960 = arith.constant 0 : i32
      %dma_start3A_961 = tpu.memref_slice %arg5[%add3A_954, %dma_start3A_960] : memref<32x200xi32, #tpu.memory_space<vmem>> -> memref<1x128xi32, #tpu.memory_space<vmem>>
      %dma_start3A_962 = tpu.memref_squeeze %dma_start3A_961 : memref<1x128xi32, #tpu.memory_space<vmem>> -> memref<128xi32, #tpu.memory_space<vmem>>
      %dma_start3A_963 = arith.constant 0 : i32
      %dma_start3A_964 = arith.constant 0 : i32
      %dma_start3A_965 = tpu.memref_slice %arg3[%dma_start3A_963, %dma_start3A_964] : memref<1000000x64xf32, #tpu.memory_space<hbm>> -> memref<1000000x64xf32, #tpu.memory_space<hbm>>
      tpu.enqueue_indirect_dma source(%dma_start3A_965 : memref<1000000x64xf32, #tpu.memory_space<hbm>>) target(%dma_start3A_959 : memref<128x64xf32, #tpu.memory_space<vmem>>) offsets(%dma_start3A_962 : memref<128xi32, #tpu.memory_space<vmem>>) semaphore(%arg11 : memref<!tpu.dma_semaphore, #tpu.memory_space<semaphore_mem>>)
      %dma_start3A_966 = arith.constant 0 : i32
      %dma_start3A_967 = arith.constant 0 : i32
      %dma_start3A_968 = arith.constant 0 : i32
      %dma_start3A_969 = tpu.memref_slice %arg9[%dma_start3A_966, %dma_start3A_967, %dma_start3A_968] : memref<2x72x64xf32, #tpu.memory_space<vmem>> -> memref<1x72x64xf32, #tpu.memory_space<vmem>>
      %dma_start3A_970 = tpu.memref_squeeze %dma_start3A_969 : memref<1x72x64xf32, #tpu.memory_space<vmem>> -> memref<72x64xf32, #tpu.memory_space<vmem>>
      %dma_start3A_971 = arith.constant 128 : i32
      %dma_start3A_972 = tpu.memref_slice %arg5[%add3A_954, %dma_start3A_971] : memref<32x200xi32, #tpu.memory_space<vmem>> -> memref<1x72xi32, #tpu.memory_space<vmem>>
      %dma_start3A_973 = tpu.memref_squeeze %dma_start3A_972 : memref<1x72xi32, #tpu.memory_space<vmem>> -> memref<72xi32, #tpu.memory_space<vmem>>
      %dma_start3A_974 = arith.constant 0 : i32
      %dma_start3A_975 = arith.constant 0 : i32
      %dma_start3A_976 = tpu.memref_slice %arg3[%dma_start3A_974, %dma_start3A_975] : memref<1000000x64xf32, #tpu.memory_space<hbm>> -> memref<1000000x64xf32, #tpu.memory_space<hbm>>
      tpu.enqueue_indirect_dma source(%dma_start3A_976 : memref<1000000x64xf32, #tpu.memory_space<hbm>>) target(%dma_start3A_970 : memref<72x64xf32, #tpu.memory_space<vmem>>) offsets(%dma_start3A_973 : memref<72xi32, #tpu.memory_space<vmem>>) semaphore(%arg11 : memref<!tpu.dma_semaphore, #tpu.memory_space<semaphore_mem>>)
      %mul3A_977 = arith.constant 2 : i32
      %mul3A_978 = arith.muli %add3A_950, %mul3A_977 : i32
      %add3A_979 = arith.constant 1 : i32
      %add3A_980 = arith.addi %mul3A_978, %add3A_979 : i32
      %dma_start3A_981 = arith.constant 1 : i32
      %dma_start3A_982 = arith.constant 0 : i32
      %dma_start3A_983 = arith.constant 0 : i32
      %dma_start3A_984 = tpu.memref_slice %arg8[%dma_start3A_981, %dma_start3A_982, %dma_start3A_983] : memref<2x128x64xf32, #tpu.memory_space<vmem>> -> memref<1x128x64xf32, #tpu.memory_space<vmem>>
      %dma_start3A_985 = tpu.memref_squeeze %dma_start3A_984 : memref<1x128x64xf32, #tpu.memory_space<vmem>> -> memref<128x64xf32, #tpu.memory_space<vmem>>
      %dma_start3A_986 = arith.constant 0 : i32
      %dma_start3A_987 = tpu.memref_slice %arg5[%add3A_980, %dma_start3A_986] : memref<32x200xi32, #tpu.memory_space<vmem>> -> memref<1x128xi32, #tpu.memory_space<vmem>>
      %dma_start3A_988 = tpu.memref_squeeze %dma_start3A_987 : memref<1x128xi32, #tpu.memory_space<vmem>> -> memref<128xi32, #tpu.memory_space<vmem>>
      %dma_start3A_989 = arith.constant 0 : i32
      %dma_start3A_990 = arith.constant 0 : i32
      %dma_start3A_991 = tpu.memref_slice %arg3[%dma_start3A_989, %dma_start3A_990] : memref<1000000x64xf32, #tpu.memory_space<hbm>> -> memref<1000000x64xf32, #tpu.memory_space<hbm>>
      tpu.enqueue_indirect_dma source(%dma_start3A_991 : memref<1000000x64xf32, #tpu.memory_space<hbm>>) target(%dma_start3A_985 : memref<128x64xf32, #tpu.memory_space<vmem>>) offsets(%dma_start3A_988 : memref<128xi32, #tpu.memory_space<vmem>>) semaphore(%arg11 : memref<!tpu.dma_semaphore, #tpu.memory_space<semaphore_mem>>)
      %dma_start3A_992 = arith.constant 1 : i32
      %dma_start3A_993 = arith.constant 0 : i32
      %dma_start3A_994 = arith.constant 0 : i32
      %dma_start3A_995 = tpu.memref_slice %arg9[%dma_start3A_992, %dma_start3A_993, %dma_start3A_994] : memref<2x72x64xf32, #tpu.memory_space<vmem>> -> memref<1x72x64xf32, #tpu.memory_space<vmem>>
      %dma_start3A_996 = tpu.memref_squeeze %dma_start3A_995 : memref<1x72x64xf32, #tpu.memory_space<vmem>> -> memref<72x64xf32, #tpu.memory_space<vmem>>
      %dma_start3A_997 = arith.constant 128 : i32
      %dma_start3A_998 = tpu.memref_slice %arg5[%add3A_980, %dma_start3A_997] : memref<32x200xi32, #tpu.memory_space<vmem>> -> memref<1x72xi32, #tpu.memory_space<vmem>>
      %dma_start3A_999 = tpu.memref_squeeze %dma_start3A_998 : memref<1x72xi32, #tpu.memory_space<vmem>> -> memref<72xi32, #tpu.memory_space<vmem>>
      %dma_start3A_1000 = arith.constant 0 : i32
      %dma_start3A_1001 = arith.constant 0 : i32
      %dma_start3A_1002 = tpu.memref_slice %arg3[%dma_start3A_1000, %dma_start3A_1001] : memref<1000000x64xf32, #tpu.memory_space<hbm>> -> memref<1000000x64xf32, #tpu.memory_space<hbm>>
      tpu.enqueue_indirect_dma source(%dma_start3A_1002 : memref<1000000x64xf32, #tpu.memory_space<hbm>>) target(%dma_start3A_996 : memref<72x64xf32, #tpu.memory_space<vmem>>) offsets(%dma_start3A_999 : memref<72xi32, #tpu.memory_space<vmem>>) semaphore(%arg11 : memref<!tpu.dma_semaphore, #tpu.memory_space<semaphore_mem>>)
    }
    %scan3A_102 = arith.constant 7 : i32
    %dma_wait3A = arith.constant 0 : i32
    %dma_wait3A_103 = arith.constant 0 : i32
    %dma_wait3A_104 = arith.constant 0 : i32
    %dma_wait3A_105 = arith.constant 0 : i32
    %dma_wait3A_106 = tpu.memref_slice %arg6[%dma_wait3A_103, %dma_wait3A_104, %dma_wait3A_105] : memref<2x128x64xf32, #tpu.memory_space<vmem>> -> memref<1x128x64xf32, #tpu.memory_space<vmem>>
    %dma_wait3A_107 = tpu.memref_squeeze %dma_wait3A_106 : memref<1x128x64xf32, #tpu.memory_space<vmem>> -> memref<128x64xf32, #tpu.memory_space<vmem>>
    %dma_wait3A_108 = arith.constant 0 : i32
    %dma_wait3A_109 = tpu.memref_slice %arg5[%dma_wait3A, %dma_wait3A_108] : memref<32x200xi32, #tpu.memory_space<vmem>> -> memref<1x128xi32, #tpu.memory_space<vmem>>
    %dma_wait3A_110 = tpu.memref_squeeze %dma_wait3A_109 : memref<1x128xi32, #tpu.memory_space<vmem>> -> memref<128xi32, #tpu.memory_space<vmem>>
    %dma_wait3A_111 = arith.constant 0 : i32
    %dma_wait3A_112 = arith.constant 0 : i32
    %dma_wait3A_113 = tpu.memref_slice %arg3[%dma_wait3A_111, %dma_wait3A_112] : memref<1000000x64xf32, #tpu.memory_space<hbm>> -> memref<1000000x64xf32, #tpu.memory_space<hbm>>
    tpu.wait_indirect_dma semaphore(%arg10 : memref<!tpu.dma_semaphore, #tpu.memory_space<semaphore_mem>>) src(%dma_wait3A_113 : memref<1000000x64xf32, #tpu.memory_space<hbm>>) dst(%dma_wait3A_107 : memref<128x64xf32, #tpu.memory_space<vmem>>)
    %dma_wait3A_114 = arith.constant 0 : i32
    %dma_wait3A_115 = arith.constant 0 : i32
    %dma_wait3A_116 = arith.constant 0 : i32
    %dma_wait3A_117 = arith.constant 0 : i32
    %dma_wait3A_118 = tpu.memref_slice %arg7[%dma_wait3A_115, %dma_wait3A_116, %dma_wait3A_117] : memref<2x72x64xf32, #tpu.memory_space<vmem>> -> memref<1x72x64xf32, #tpu.memory_space<vmem>>
    %dma_wait3A_119 = tpu.memref_squeeze %dma_wait3A_118 : memref<1x72x64xf32, #tpu.memory_space<vmem>> -> memref<72x64xf32, #tpu.memory_space<vmem>>
    %dma_wait3A_120 = arith.constant 128 : i32
    %dma_wait3A_121 = tpu.memref_slice %arg5[%dma_wait3A_114, %dma_wait3A_120] : memref<32x200xi32, #tpu.memory_space<vmem>> -> memref<1x72xi32, #tpu.memory_space<vmem>>
    %dma_wait3A_122 = tpu.memref_squeeze %dma_wait3A_121 : memref<1x72xi32, #tpu.memory_space<vmem>> -> memref<72xi32, #tpu.memory_space<vmem>>
    %dma_wait3A_123 = arith.constant 0 : i32
    %dma_wait3A_124 = arith.constant 0 : i32
    %dma_wait3A_125 = tpu.memref_slice %arg3[%dma_wait3A_123, %dma_wait3A_124] : memref<1000000x64xf32, #tpu.memory_space<hbm>> -> memref<1000000x64xf32, #tpu.memory_space<hbm>>
    tpu.wait_indirect_dma semaphore(%arg10 : memref<!tpu.dma_semaphore, #tpu.memory_space<semaphore_mem>>) src(%dma_wait3A_125 : memref<1000000x64xf32, #tpu.memory_space<hbm>>) dst(%dma_wait3A_119 : memref<72x64xf32, #tpu.memory_space<vmem>>)
    %dma_wait3A_126 = arith.constant 0 : i32
    %dma_wait3A_127 = arith.constant 1 : i32
    %dma_wait3A_128 = arith.constant 0 : i32
    %dma_wait3A_129 = arith.constant 0 : i32
    %dma_wait3A_130 = tpu.memref_slice %arg6[%dma_wait3A_127, %dma_wait3A_128, %dma_wait3A_129] : memref<2x128x64xf32, #tpu.memory_space<vmem>> -> memref<1x128x64xf32, #tpu.memory_space<vmem>>
    %dma_wait3A_131 = tpu.memref_squeeze %dma_wait3A_130 : memref<1x128x64xf32, #tpu.memory_space<vmem>> -> memref<128x64xf32, #tpu.memory_space<vmem>>
    %dma_wait3A_132 = arith.constant 0 : i32
    %dma_wait3A_133 = tpu.memref_slice %arg5[%dma_wait3A_126, %dma_wait3A_132] : memref<32x200xi32, #tpu.memory_space<vmem>> -> memref<1x128xi32, #tpu.memory_space<vmem>>
    %dma_wait3A_134 = tpu.memref_squeeze %dma_wait3A_133 : memref<1x128xi32, #tpu.memory_space<vmem>> -> memref<128xi32, #tpu.memory_space<vmem>>
    %dma_wait3A_135 = arith.constant 0 : i32
    %dma_wait3A_136 = arith.constant 0 : i32
    %dma_wait3A_137 = tpu.memref_slice %arg3[%dma_wait3A_135, %dma_wait3A_136] : memref<1000000x64xf32, #tpu.memory_space<hbm>> -> memref<1000000x64xf32, #tpu.memory_space<hbm>>
    tpu.wait_indirect_dma semaphore(%arg10 : memref<!tpu.dma_semaphore, #tpu.memory_space<semaphore_mem>>) src(%dma_wait3A_137 : memref<1000000x64xf32, #tpu.memory_space<hbm>>) dst(%dma_wait3A_131 : memref<128x64xf32, #tpu.memory_space<vmem>>)
    %dma_wait3A_138 = arith.constant 0 : i32
    %dma_wait3A_139 = arith.constant 1 : i32
    %dma_wait3A_140 = arith.constant 0 : i32
    %dma_wait3A_141 = arith.constant 0 : i32
    %dma_wait3A_142 = tpu.memref_slice %arg7[%dma_wait3A_139, %dma_wait3A_140, %dma_wait3A_141] : memref<2x72x64xf32, #tpu.memory_space<vmem>> -> memref<1x72x64xf32, #tpu.memory_space<vmem>>
    %dma_wait3A_143 = tpu.memref_squeeze %dma_wait3A_142 : memref<1x72x64xf32, #tpu.memory_space<vmem>> -> memref<72x64xf32, #tpu.memory_space<vmem>>
    %dma_wait3A_144 = arith.constant 128 : i32
    %dma_wait3A_145 = tpu.memref_slice %arg5[%dma_wait3A_138, %dma_wait3A_144] : memref<32x200xi32, #tpu.memory_space<vmem>> -> memref<1x72xi32, #tpu.memory_space<vmem>>
    %dma_wait3A_146 = tpu.memref_squeeze %dma_wait3A_145 : memref<1x72xi32, #tpu.memory_space<vmem>> -> memref<72xi32, #tpu.memory_space<vmem>>
    %dma_wait3A_147 = arith.constant 0 : i32
    %dma_wait3A_148 = arith.constant 0 : i32
    %dma_wait3A_149 = tpu.memref_slice %arg3[%dma_wait3A_147, %dma_wait3A_148] : memref<1000000x64xf32, #tpu.memory_space<hbm>> -> memref<1000000x64xf32, #tpu.memory_space<hbm>>
    tpu.wait_indirect_dma semaphore(%arg10 : memref<!tpu.dma_semaphore, #tpu.memory_space<semaphore_mem>>) src(%dma_wait3A_149 : memref<1000000x64xf32, #tpu.memory_space<hbm>>) dst(%dma_wait3A_143 : memref<72x64xf32, #tpu.memory_space<vmem>>)
    %add3A_150 = arith.constant 28 : i32
    %add3A_151 = arith.addi %mul3A_2, %add3A_150 : i32
    %add3A_152 = arith.constant 0 : i32
    %add3A_153 = arith.addi %add3A_151, %add3A_152 : i32
    %dma_start3A_154 = arith.constant 0 : i32
    %dma_start3A_155 = arith.constant 0 : i32
    %dma_start3A_156 = arith.constant 0 : i32
    %dma_start3A_157 = tpu.memref_slice %arg6[%dma_start3A_154, %dma_start3A_155, %dma_start3A_156] : memref<2x128x64xf32, #tpu.memory_space<vmem>> -> memref<1x128x64xf32, #tpu.memory_space<vmem>>
    %dma_start3A_158 = tpu.memref_squeeze %dma_start3A_157 : memref<1x128x64xf32, #tpu.memory_space<vmem>> -> memref<128x64xf32, #tpu.memory_space<vmem>>
    %dma_start3A_159 = arith.constant 0 : i32
    %dma_start3A_160 = arith.constant 0 : i32
    %dma_start3A_161 = tpu.memref_slice %arg4[%add3A_153, %dma_start3A_159, %dma_start3A_160] : memref<1024x200x64xf32, #tpu.memory_space<hbm>> -> memref<1x128x64xf32, #tpu.memory_space<hbm>>
    %dma_start3A_162 = tpu.memref_squeeze %dma_start3A_161 : memref<1x128x64xf32, #tpu.memory_space<hbm>> -> memref<128x64xf32, #tpu.memory_space<hbm>>
    %dma_start3A_163 = arith.constant 0 : i32
    %dma_start3A_164 = arith.constant 0 : i32
    %dma_start3A_165 = tpu.memref_slice %arg4[%add3A_153, %dma_start3A_163, %dma_start3A_164] : memref<1024x200x64xf32, #tpu.memory_space<hbm>> -> memref<1x128x64xf32, #tpu.memory_space<hbm>>
    %dma_start3A_166 = tpu.memref_squeeze %dma_start3A_165 : memref<1x128x64xf32, #tpu.memory_space<hbm>> -> memref<128x64xf32, #tpu.memory_space<hbm>>
    %dma_start3A_167 = arith.constant 0 : i32
    %dma_start3A_168 = arith.constant 0 : i32
    %dma_start3A_169 = tpu.memref_slice %arg6[%dma_start3A_154, %dma_start3A_167, %dma_start3A_168] : memref<2x128x64xf32, #tpu.memory_space<vmem>> -> memref<1x128x64xf32, #tpu.memory_space<vmem>>
    %dma_start3A_170 = tpu.memref_squeeze %dma_start3A_169 : memref<1x128x64xf32, #tpu.memory_space<vmem>> -> memref<128x64xf32, #tpu.memory_space<vmem>>
    tpu.enqueue_dma source(%dma_start3A_170 : memref<128x64xf32, #tpu.memory_space<vmem>>) target(%dma_start3A_166 : memref<128x64xf32, #tpu.memory_space<hbm>>) target_semaphore(%arg12 : memref<!tpu.dma_semaphore, #tpu.memory_space<semaphore_mem>>)
    %dma_start3A_171 = arith.constant 0 : i32
    %dma_start3A_172 = arith.constant 0 : i32
    %dma_start3A_173 = arith.constant 0 : i32
    %dma_start3A_174 = tpu.memref_slice %arg7[%dma_start3A_171, %dma_start3A_172, %dma_start3A_173] : memref<2x72x64xf32, #tpu.memory_space<vmem>> -> memref<1x72x64xf32, #tpu.memory_space<vmem>>
    %dma_start3A_175 = tpu.memref_squeeze %dma_start3A_174 : memref<1x72x64xf32, #tpu.memory_space<vmem>> -> memref<72x64xf32, #tpu.memory_space<vmem>>
    %dma_start3A_176 = arith.constant 128 : i32
    %dma_start3A_177 = arith.constant 0 : i32
    %dma_start3A_178 = tpu.memref_slice %arg4[%add3A_153, %dma_start3A_176, %dma_start3A_177] : memref<1024x200x64xf32, #tpu.memory_space<hbm>> -> memref<1x72x64xf32, #tpu.memory_space<hbm>>
    %dma_start3A_179 = tpu.memref_squeeze %dma_start3A_178 : memref<1x72x64xf32, #tpu.memory_space<hbm>> -> memref<72x64xf32, #tpu.memory_space<hbm>>
    %dma_start3A_180 = arith.constant 128 : i32
    %dma_start3A_181 = arith.constant 0 : i32
    %dma_start3A_182 = tpu.memref_slice %arg4[%add3A_153, %dma_start3A_180, %dma_start3A_181] : memref<1024x200x64xf32, #tpu.memory_space<hbm>> -> memref<1x72x64xf32, #tpu.memory_space<hbm>>
    %dma_start3A_183 = tpu.memref_squeeze %dma_start3A_182 : memref<1x72x64xf32, #tpu.memory_space<hbm>> -> memref<72x64xf32, #tpu.memory_space<hbm>>
    %dma_start3A_184 = arith.constant 0 : i32
    %dma_start3A_185 = arith.constant 0 : i32
    %dma_start3A_186 = tpu.memref_slice %arg7[%dma_start3A_171, %dma_start3A_184, %dma_start3A_185] : memref<2x72x64xf32, #tpu.memory_space<vmem>> -> memref<1x72x64xf32, #tpu.memory_space<vmem>>
    %dma_start3A_187 = tpu.memref_squeeze %dma_start3A_186 : memref<1x72x64xf32, #tpu.memory_space<vmem>> -> memref<72x64xf32, #tpu.memory_space<vmem>>
    tpu.enqueue_dma source(%dma_start3A_187 : memref<72x64xf32, #tpu.memory_space<vmem>>) target(%dma_start3A_183 : memref<72x64xf32, #tpu.memory_space<hbm>>) target_semaphore(%arg12 : memref<!tpu.dma_semaphore, #tpu.memory_space<semaphore_mem>>)
    %add3A_188 = arith.constant 28 : i32
    %add3A_189 = arith.addi %mul3A_2, %add3A_188 : i32
    %add3A_190 = arith.constant 1 : i32
    %add3A_191 = arith.addi %add3A_189, %add3A_190 : i32
    %dma_start3A_192 = arith.constant 1 : i32
    %dma_start3A_193 = arith.constant 0 : i32
    %dma_start3A_194 = arith.constant 0 : i32
    %dma_start3A_195 = tpu.memref_slice %arg6[%dma_start3A_192, %dma_start3A_193, %dma_start3A_194] : memref<2x128x64xf32, #tpu.memory_space<vmem>> -> memref<1x128x64xf32, #tpu.memory_space<vmem>>
    %dma_start3A_196 = tpu.memref_squeeze %dma_start3A_195 : memref<1x128x64xf32, #tpu.memory_space<vmem>> -> memref<128x64xf32, #tpu.memory_space<vmem>>
    %dma_start3A_197 = arith.constant 0 : i32
    %dma_start3A_198 = arith.constant 0 : i32
    %dma_start3A_199 = tpu.memref_slice %arg4[%add3A_191, %dma_start3A_197, %dma_start3A_198] : memref<1024x200x64xf32, #tpu.memory_space<hbm>> -> memref<1x128x64xf32, #tpu.memory_space<hbm>>
    %dma_start3A_200 = tpu.memref_squeeze %dma_start3A_199 : memref<1x128x64xf32, #tpu.memory_space<hbm>> -> memref<128x64xf32, #tpu.memory_space<hbm>>
    %dma_start3A_201 = arith.constant 0 : i32
    %dma_start3A_202 = arith.constant 0 : i32
    %dma_start3A_203 = tpu.memref_slice %arg4[%add3A_191, %dma_start3A_201, %dma_start3A_202] : memref<1024x200x64xf32, #tpu.memory_space<hbm>> -> memref<1x128x64xf32, #tpu.memory_space<hbm>>
    %dma_start3A_204 = tpu.memref_squeeze %dma_start3A_203 : memref<1x128x64xf32, #tpu.memory_space<hbm>> -> memref<128x64xf32, #tpu.memory_space<hbm>>
    %dma_start3A_205 = arith.constant 0 : i32
    %dma_start3A_206 = arith.constant 0 : i32
    %dma_start3A_207 = tpu.memref_slice %arg6[%dma_start3A_192, %dma_start3A_205, %dma_start3A_206] : memref<2x128x64xf32, #tpu.memory_space<vmem>> -> memref<1x128x64xf32, #tpu.memory_space<vmem>>
    %dma_start3A_208 = tpu.memref_squeeze %dma_start3A_207 : memref<1x128x64xf32, #tpu.memory_space<vmem>> -> memref<128x64xf32, #tpu.memory_space<vmem>>
    tpu.enqueue_dma source(%dma_start3A_208 : memref<128x64xf32, #tpu.memory_space<vmem>>) target(%dma_start3A_204 : memref<128x64xf32, #tpu.memory_space<hbm>>) target_semaphore(%arg12 : memref<!tpu.dma_semaphore, #tpu.memory_space<semaphore_mem>>)
    %dma_start3A_209 = arith.constant 1 : i32
    %dma_start3A_210 = arith.constant 0 : i32
    %dma_start3A_211 = arith.constant 0 : i32
    %dma_start3A_212 = tpu.memref_slice %arg7[%dma_start3A_209, %dma_start3A_210, %dma_start3A_211] : memref<2x72x64xf32, #tpu.memory_space<vmem>> -> memref<1x72x64xf32, #tpu.memory_space<vmem>>
    %dma_start3A_213 = tpu.memref_squeeze %dma_start3A_212 : memref<1x72x64xf32, #tpu.memory_space<vmem>> -> memref<72x64xf32, #tpu.memory_space<vmem>>
    %dma_start3A_214 = arith.constant 128 : i32
    %dma_start3A_215 = arith.constant 0 : i32
    %dma_start3A_216 = tpu.memref_slice %arg4[%add3A_191, %dma_start3A_214, %dma_start3A_215] : memref<1024x200x64xf32, #tpu.memory_space<hbm>> -> memref<1x72x64xf32, #tpu.memory_space<hbm>>
    %dma_start3A_217 = tpu.memref_squeeze %dma_start3A_216 : memref<1x72x64xf32, #tpu.memory_space<hbm>> -> memref<72x64xf32, #tpu.memory_space<hbm>>
    %dma_start3A_218 = arith.constant 128 : i32
    %dma_start3A_219 = arith.constant 0 : i32
    %dma_start3A_220 = tpu.memref_slice %arg4[%add3A_191, %dma_start3A_218, %dma_start3A_219] : memref<1024x200x64xf32, #tpu.memory_space<hbm>> -> memref<1x72x64xf32, #tpu.memory_space<hbm>>
    %dma_start3A_221 = tpu.memref_squeeze %dma_start3A_220 : memref<1x72x64xf32, #tpu.memory_space<hbm>> -> memref<72x64xf32, #tpu.memory_space<hbm>>
    %dma_start3A_222 = arith.constant 0 : i32
    %dma_start3A_223 = arith.constant 0 : i32
    %dma_start3A_224 = tpu.memref_slice %arg7[%dma_start3A_209, %dma_start3A_222, %dma_start3A_223] : memref<2x72x64xf32, #tpu.memory_space<vmem>> -> memref<1x72x64xf32, #tpu.memory_space<vmem>>
    %dma_start3A_225 = tpu.memref_squeeze %dma_start3A_224 : memref<1x72x64xf32, #tpu.memory_space<vmem>> -> memref<72x64xf32, #tpu.memory_space<vmem>>
    tpu.enqueue_dma source(%dma_start3A_225 : memref<72x64xf32, #tpu.memory_space<vmem>>) target(%dma_start3A_221 : memref<72x64xf32, #tpu.memory_space<hbm>>) target_semaphore(%arg12 : memref<!tpu.dma_semaphore, #tpu.memory_space<semaphore_mem>>)
    %dma_wait3A_226 = arith.constant 0 : i32
    %dma_wait3A_227 = arith.constant 0 : i32
    %dma_wait3A_228 = arith.constant 0 : i32
    %dma_wait3A_229 = arith.constant 0 : i32
    %dma_wait3A_230 = tpu.memref_slice %arg8[%dma_wait3A_227, %dma_wait3A_228, %dma_wait3A_229] : memref<2x128x64xf32, #tpu.memory_space<vmem>> -> memref<1x128x64xf32, #tpu.memory_space<vmem>>
    %dma_wait3A_231 = tpu.memref_squeeze %dma_wait3A_230 : memref<1x128x64xf32, #tpu.memory_space<vmem>> -> memref<128x64xf32, #tpu.memory_space<vmem>>
    %dma_wait3A_232 = arith.constant 0 : i32
    %dma_wait3A_233 = tpu.memref_slice %arg5[%dma_wait3A_226, %dma_wait3A_232] : memref<32x200xi32, #tpu.memory_space<vmem>> -> memref<1x128xi32, #tpu.memory_space<vmem>>
    %dma_wait3A_234 = tpu.memref_squeeze %dma_wait3A_233 : memref<1x128xi32, #tpu.memory_space<vmem>> -> memref<128xi32, #tpu.memory_space<vmem>>
    %dma_wait3A_235 = arith.constant 0 : i32
    %dma_wait3A_236 = arith.constant 0 : i32
    %dma_wait3A_237 = tpu.memref_slice %arg3[%dma_wait3A_235, %dma_wait3A_236] : memref<1000000x64xf32, #tpu.memory_space<hbm>> -> memref<1000000x64xf32, #tpu.memory_space<hbm>>
    tpu.wait_indirect_dma semaphore(%arg11 : memref<!tpu.dma_semaphore, #tpu.memory_space<semaphore_mem>>) src(%dma_wait3A_237 : memref<1000000x64xf32, #tpu.memory_space<hbm>>) dst(%dma_wait3A_231 : memref<128x64xf32, #tpu.memory_space<vmem>>)
    %dma_wait3A_238 = arith.constant 0 : i32
    %dma_wait3A_239 = arith.constant 0 : i32
    %dma_wait3A_240 = arith.constant 0 : i32
    %dma_wait3A_241 = arith.constant 0 : i32
    %dma_wait3A_242 = tpu.memref_slice %arg9[%dma_wait3A_239, %dma_wait3A_240, %dma_wait3A_241] : memref<2x72x64xf32, #tpu.memory_space<vmem>> -> memref<1x72x64xf32, #tpu.memory_space<vmem>>
    %dma_wait3A_243 = tpu.memref_squeeze %dma_wait3A_242 : memref<1x72x64xf32, #tpu.memory_space<vmem>> -> memref<72x64xf32, #tpu.memory_space<vmem>>
    %dma_wait3A_244 = arith.constant 128 : i32
    %dma_wait3A_245 = tpu.memref_slice %arg5[%dma_wait3A_238, %dma_wait3A_244] : memref<32x200xi32, #tpu.memory_space<vmem>> -> memref<1x72xi32, #tpu.memory_space<vmem>>
    %dma_wait3A_246 = tpu.memref_squeeze %dma_wait3A_245 : memref<1x72xi32, #tpu.memory_space<vmem>> -> memref<72xi32, #tpu.memory_space<vmem>>
    %dma_wait3A_247 = arith.constant 0 : i32
    %dma_wait3A_248 = arith.constant 0 : i32
    %dma_wait3A_249 = tpu.memref_slice %arg3[%dma_wait3A_247, %dma_wait3A_248] : memref<1000000x64xf32, #tpu.memory_space<hbm>> -> memref<1000000x64xf32, #tpu.memory_space<hbm>>
    tpu.wait_indirect_dma semaphore(%arg11 : memref<!tpu.dma_semaphore, #tpu.memory_space<semaphore_mem>>) src(%dma_wait3A_249 : memref<1000000x64xf32, #tpu.memory_space<hbm>>) dst(%dma_wait3A_243 : memref<72x64xf32, #tpu.memory_space<vmem>>)
    %dma_wait3A_250 = arith.constant 0 : i32
    %dma_wait3A_251 = arith.constant 1 : i32
    %dma_wait3A_252 = arith.constant 0 : i32
    %dma_wait3A_253 = arith.constant 0 : i32
    %dma_wait3A_254 = tpu.memref_slice %arg8[%dma_wait3A_251, %dma_wait3A_252, %dma_wait3A_253] : memref<2x128x64xf32, #tpu.memory_space<vmem>> -> memref<1x128x64xf32, #tpu.memory_space<vmem>>
    %dma_wait3A_255 = tpu.memref_squeeze %dma_wait3A_254 : memref<1x128x64xf32, #tpu.memory_space<vmem>> -> memref<128x64xf32, #tpu.memory_space<vmem>>
    %dma_wait3A_256 = arith.constant 0 : i32
    %dma_wait3A_257 = tpu.memref_slice %arg5[%dma_wait3A_250, %dma_wait3A_256] : memref<32x200xi32, #tpu.memory_space<vmem>> -> memref<1x128xi32, #tpu.memory_space<vmem>>
    %dma_wait3A_258 = tpu.memref_squeeze %dma_wait3A_257 : memref<1x128xi32, #tpu.memory_space<vmem>> -> memref<128xi32, #tpu.memory_space<vmem>>
    %dma_wait3A_259 = arith.constant 0 : i32
    %dma_wait3A_260 = arith.constant 0 : i32
    %dma_wait3A_261 = tpu.memref_slice %arg3[%dma_wait3A_259, %dma_wait3A_260] : memref<1000000x64xf32, #tpu.memory_space<hbm>> -> memref<1000000x64xf32, #tpu.memory_space<hbm>>
    tpu.wait_indirect_dma semaphore(%arg11 : memref<!tpu.dma_semaphore, #tpu.memory_space<semaphore_mem>>) src(%dma_wait3A_261 : memref<1000000x64xf32, #tpu.memory_space<hbm>>) dst(%dma_wait3A_255 : memref<128x64xf32, #tpu.memory_space<vmem>>)
    %dma_wait3A_262 = arith.constant 0 : i32
    %dma_wait3A_263 = arith.constant 1 : i32
    %dma_wait3A_264 = arith.constant 0 : i32
    %dma_wait3A_265 = arith.constant 0 : i32
    %dma_wait3A_266 = tpu.memref_slice %arg9[%dma_wait3A_263, %dma_wait3A_264, %dma_wait3A_265] : memref<2x72x64xf32, #tpu.memory_space<vmem>> -> memref<1x72x64xf32, #tpu.memory_space<vmem>>
    %dma_wait3A_267 = tpu.memref_squeeze %dma_wait3A_266 : memref<1x72x64xf32, #tpu.memory_space<vmem>> -> memref<72x64xf32, #tpu.memory_space<vmem>>
    %dma_wait3A_268 = arith.constant 128 : i32
    %dma_wait3A_269 = tpu.memref_slice %arg5[%dma_wait3A_262, %dma_wait3A_268] : memref<32x200xi32, #tpu.memory_space<vmem>> -> memref<1x72xi32, #tpu.memory_space<vmem>>
    %dma_wait3A_270 = tpu.memref_squeeze %dma_wait3A_269 : memref<1x72xi32, #tpu.memory_space<vmem>> -> memref<72xi32, #tpu.memory_space<vmem>>
    %dma_wait3A_271 = arith.constant 0 : i32
    %dma_wait3A_272 = arith.constant 0 : i32
    %dma_wait3A_273 = tpu.memref_slice %arg3[%dma_wait3A_271, %dma_wait3A_272] : memref<1000000x64xf32, #tpu.memory_space<hbm>> -> memref<1000000x64xf32, #tpu.memory_space<hbm>>
    tpu.wait_indirect_dma semaphore(%arg11 : memref<!tpu.dma_semaphore, #tpu.memory_space<semaphore_mem>>) src(%dma_wait3A_273 : memref<1000000x64xf32, #tpu.memory_space<hbm>>) dst(%dma_wait3A_267 : memref<72x64xf32, #tpu.memory_space<vmem>>)
    %add3A_274 = arith.constant 30 : i32
    %add3A_275 = arith.addi %mul3A_2, %add3A_274 : i32
    %add3A_276 = arith.constant 0 : i32
    %add3A_277 = arith.addi %add3A_275, %add3A_276 : i32
    %dma_start3A_278 = arith.constant 0 : i32
    %dma_start3A_279 = arith.constant 0 : i32
    %dma_start3A_280 = arith.constant 0 : i32
    %dma_start3A_281 = tpu.memref_slice %arg8[%dma_start3A_278, %dma_start3A_279, %dma_start3A_280] : memref<2x128x64xf32, #tpu.memory_space<vmem>> -> memref<1x128x64xf32, #tpu.memory_space<vmem>>
    %dma_start3A_282 = tpu.memref_squeeze %dma_start3A_281 : memref<1x128x64xf32, #tpu.memory_space<vmem>> -> memref<128x64xf32, #tpu.memory_space<vmem>>
    %dma_start3A_283 = arith.constant 0 : i32
    %dma_start3A_284 = arith.constant 0 : i32
    %dma_start3A_285 = tpu.memref_slice %arg4[%add3A_277, %dma_start3A_283, %dma_start3A_284] : memref<1024x200x64xf32, #tpu.memory_space<hbm>> -> memref<1x128x64xf32, #tpu.memory_space<hbm>>
    %dma_start3A_286 = tpu.memref_squeeze %dma_start3A_285 : memref<1x128x64xf32, #tpu.memory_space<hbm>> -> memref<128x64xf32, #tpu.memory_space<hbm>>
    %dma_start3A_287 = arith.constant 0 : i32
    %dma_start3A_288 = arith.constant 0 : i32
    %dma_start3A_289 = tpu.memref_slice %arg4[%add3A_277, %dma_start3A_287, %dma_start3A_288] : memref<1024x200x64xf32, #tpu.memory_space<hbm>> -> memref<1x128x64xf32, #tpu.memory_space<hbm>>
    %dma_start3A_290 = tpu.memref_squeeze %dma_start3A_289 : memref<1x128x64xf32, #tpu.memory_space<hbm>> -> memref<128x64xf32, #tpu.memory_space<hbm>>
    %dma_start3A_291 = arith.constant 0 : i32
    %dma_start3A_292 = arith.constant 0 : i32
    %dma_start3A_293 = tpu.memref_slice %arg8[%dma_start3A_278, %dma_start3A_291, %dma_start3A_292] : memref<2x128x64xf32, #tpu.memory_space<vmem>> -> memref<1x128x64xf32, #tpu.memory_space<vmem>>
    %dma_start3A_294 = tpu.memref_squeeze %dma_start3A_293 : memref<1x128x64xf32, #tpu.memory_space<vmem>> -> memref<128x64xf32, #tpu.memory_space<vmem>>
    tpu.enqueue_dma source(%dma_start3A_294 : memref<128x64xf32, #tpu.memory_space<vmem>>) target(%dma_start3A_290 : memref<128x64xf32, #tpu.memory_space<hbm>>) target_semaphore(%arg13 : memref<!tpu.dma_semaphore, #tpu.memory_space<semaphore_mem>>)
    %dma_start3A_295 = arith.constant 0 : i32
    %dma_start3A_296 = arith.constant 0 : i32
    %dma_start3A_297 = arith.constant 0 : i32
    %dma_start3A_298 = tpu.memref_slice %arg9[%dma_start3A_295, %dma_start3A_296, %dma_start3A_297] : memref<2x72x64xf32, #tpu.memory_space<vmem>> -> memref<1x72x64xf32, #tpu.memory_space<vmem>>
    %dma_start3A_299 = tpu.memref_squeeze %dma_start3A_298 : memref<1x72x64xf32, #tpu.memory_space<vmem>> -> memref<72x64xf32, #tpu.memory_space<vmem>>
    %dma_start3A_300 = arith.constant 128 : i32
    %dma_start3A_301 = arith.constant 0 : i32
    %dma_start3A_302 = tpu.memref_slice %arg4[%add3A_277, %dma_start3A_300, %dma_start3A_301] : memref<1024x200x64xf32, #tpu.memory_space<hbm>> -> memref<1x72x64xf32, #tpu.memory_space<hbm>>
    %dma_start3A_303 = tpu.memref_squeeze %dma_start3A_302 : memref<1x72x64xf32, #tpu.memory_space<hbm>> -> memref<72x64xf32, #tpu.memory_space<hbm>>
    %dma_start3A_304 = arith.constant 128 : i32
    %dma_start3A_305 = arith.constant 0 : i32
    %dma_start3A_306 = tpu.memref_slice %arg4[%add3A_277, %dma_start3A_304, %dma_start3A_305] : memref<1024x200x64xf32, #tpu.memory_space<hbm>> -> memref<1x72x64xf32, #tpu.memory_space<hbm>>
    %dma_start3A_307 = tpu.memref_squeeze %dma_start3A_306 : memref<1x72x64xf32, #tpu.memory_space<hbm>> -> memref<72x64xf32, #tpu.memory_space<hbm>>
    %dma_start3A_308 = arith.constant 0 : i32
    %dma_start3A_309 = arith.constant 0 : i32
    %dma_start3A_310 = tpu.memref_slice %arg9[%dma_start3A_295, %dma_start3A_308, %dma_start3A_309] : memref<2x72x64xf32, #tpu.memory_space<vmem>> -> memref<1x72x64xf32, #tpu.memory_space<vmem>>
    %dma_start3A_311 = tpu.memref_squeeze %dma_start3A_310 : memref<1x72x64xf32, #tpu.memory_space<vmem>> -> memref<72x64xf32, #tpu.memory_space<vmem>>
    tpu.enqueue_dma source(%dma_start3A_311 : memref<72x64xf32, #tpu.memory_space<vmem>>) target(%dma_start3A_307 : memref<72x64xf32, #tpu.memory_space<hbm>>) target_semaphore(%arg13 : memref<!tpu.dma_semaphore, #tpu.memory_space<semaphore_mem>>)
    %add3A_312 = arith.constant 30 : i32
    %add3A_313 = arith.addi %mul3A_2, %add3A_312 : i32
    %add3A_314 = arith.constant 1 : i32
    %add3A_315 = arith.addi %add3A_313, %add3A_314 : i32
    %dma_start3A_316 = arith.constant 1 : i32
    %dma_start3A_317 = arith.constant 0 : i32
    %dma_start3A_318 = arith.constant 0 : i32
    %dma_start3A_319 = tpu.memref_slice %arg8[%dma_start3A_316, %dma_start3A_317, %dma_start3A_318] : memref<2x128x64xf32, #tpu.memory_space<vmem>> -> memref<1x128x64xf32, #tpu.memory_space<vmem>>
    %dma_start3A_320 = tpu.memref_squeeze %dma_start3A_319 : memref<1x128x64xf32, #tpu.memory_space<vmem>> -> memref<128x64xf32, #tpu.memory_space<vmem>>
    %dma_start3A_321 = arith.constant 0 : i32
    %dma_start3A_322 = arith.constant 0 : i32
    %dma_start3A_323 = tpu.memref_slice %arg4[%add3A_315, %dma_start3A_321, %dma_start3A_322] : memref<1024x200x64xf32, #tpu.memory_space<hbm>> -> memref<1x128x64xf32, #tpu.memory_space<hbm>>
    %dma_start3A_324 = tpu.memref_squeeze %dma_start3A_323 : memref<1x128x64xf32, #tpu.memory_space<hbm>> -> memref<128x64xf32, #tpu.memory_space<hbm>>
    %dma_start3A_325 = arith.constant 0 : i32
    %dma_start3A_326 = arith.constant 0 : i32
    %dma_start3A_327 = tpu.memref_slice %arg4[%add3A_315, %dma_start3A_325, %dma_start3A_326] : memref<1024x200x64xf32, #tpu.memory_space<hbm>> -> memref<1x128x64xf32, #tpu.memory_space<hbm>>
    %dma_start3A_328 = tpu.memref_squeeze %dma_start3A_327 : memref<1x128x64xf32, #tpu.memory_space<hbm>> -> memref<128x64xf32, #tpu.memory_space<hbm>>
    %dma_start3A_329 = arith.constant 0 : i32
    %dma_start3A_330 = arith.constant 0 : i32
    %dma_start3A_331 = tpu.memref_slice %arg8[%dma_start3A_316, %dma_start3A_329, %dma_start3A_330] : memref<2x128x64xf32, #tpu.memory_space<vmem>> -> memref<1x128x64xf32, #tpu.memory_space<vmem>>
    %dma_start3A_332 = tpu.memref_squeeze %dma_start3A_331 : memref<1x128x64xf32, #tpu.memory_space<vmem>> -> memref<128x64xf32, #tpu.memory_space<vmem>>
    tpu.enqueue_dma source(%dma_start3A_332 : memref<128x64xf32, #tpu.memory_space<vmem>>) target(%dma_start3A_328 : memref<128x64xf32, #tpu.memory_space<hbm>>) target_semaphore(%arg13 : memref<!tpu.dma_semaphore, #tpu.memory_space<semaphore_mem>>)
    %dma_start3A_333 = arith.constant 1 : i32
    %dma_start3A_334 = arith.constant 0 : i32
    %dma_start3A_335 = arith.constant 0 : i32
    %dma_start3A_336 = tpu.memref_slice %arg9[%dma_start3A_333, %dma_start3A_334, %dma_start3A_335] : memref<2x72x64xf32, #tpu.memory_space<vmem>> -> memref<1x72x64xf32, #tpu.memory_space<vmem>>
    %dma_start3A_337 = tpu.memref_squeeze %dma_start3A_336 : memref<1x72x64xf32, #tpu.memory_space<vmem>> -> memref<72x64xf32, #tpu.memory_space<vmem>>
    %dma_start3A_338 = arith.constant 128 : i32
    %dma_start3A_339 = arith.constant 0 : i32
    %dma_start3A_340 = tpu.memref_slice %arg4[%add3A_315, %dma_start3A_338, %dma_start3A_339] : memref<1024x200x64xf32, #tpu.memory_space<hbm>> -> memref<1x72x64xf32, #tpu.memory_space<hbm>>
    %dma_start3A_341 = tpu.memref_squeeze %dma_start3A_340 : memref<1x72x64xf32, #tpu.memory_space<hbm>> -> memref<72x64xf32, #tpu.memory_space<hbm>>
    %dma_start3A_342 = arith.constant 128 : i32
    %dma_start3A_343 = arith.constant 0 : i32
    %dma_start3A_344 = tpu.memref_slice %arg4[%add3A_315, %dma_start3A_342, %dma_start3A_343] : memref<1024x200x64xf32, #tpu.memory_space<hbm>> -> memref<1x72x64xf32, #tpu.memory_space<hbm>>
    %dma_start3A_345 = tpu.memref_squeeze %dma_start3A_344 : memref<1x72x64xf32, #tpu.memory_space<hbm>> -> memref<72x64xf32, #tpu.memory_space<hbm>>
    %dma_start3A_346 = arith.constant 0 : i32
    %dma_start3A_347 = arith.constant 0 : i32
    %dma_start3A_348 = tpu.memref_slice %arg9[%dma_start3A_333, %dma_start3A_346, %dma_start3A_347] : memref<2x72x64xf32, #tpu.memory_space<vmem>> -> memref<1x72x64xf32, #tpu.memory_space<vmem>>
    %dma_start3A_349 = tpu.memref_squeeze %dma_start3A_348 : memref<1x72x64xf32, #tpu.memory_space<vmem>> -> memref<72x64xf32, #tpu.memory_space<vmem>>
    tpu.enqueue_dma source(%dma_start3A_349 : memref<72x64xf32, #tpu.memory_space<vmem>>) target(%dma_start3A_345 : memref<72x64xf32, #tpu.memory_space<hbm>>) target_semaphore(%arg13 : memref<!tpu.dma_semaphore, #tpu.memory_space<semaphore_mem>>)
    %dma_wait3A_350 = arith.constant 0 : i32
    %dma_wait3A_351 = arith.constant 0 : i32
    %dma_wait3A_352 = arith.constant 0 : i32
    %dma_wait3A_353 = arith.constant 0 : i32
    %dma_wait3A_354 = tpu.memref_slice %arg6[%dma_wait3A_350, %dma_wait3A_352, %dma_wait3A_353] : memref<2x128x64xf32, #tpu.memory_space<vmem>> -> memref<1x128x64xf32, #tpu.memory_space<vmem>>
    %dma_wait3A_355 = tpu.memref_squeeze %dma_wait3A_354 : memref<1x128x64xf32, #tpu.memory_space<vmem>> -> memref<128x64xf32, #tpu.memory_space<vmem>>
    %dma_wait3A_356 = arith.constant 0 : i32
    %dma_wait3A_357 = arith.constant 0 : i32
    %dma_wait3A_358 = tpu.memref_slice %arg4[%dma_wait3A_351, %dma_wait3A_356, %dma_wait3A_357] : memref<1024x200x64xf32, #tpu.memory_space<hbm>> -> memref<1x128x64xf32, #tpu.memory_space<hbm>>
    %dma_wait3A_359 = tpu.memref_squeeze %dma_wait3A_358 : memref<1x128x64xf32, #tpu.memory_space<hbm>> -> memref<128x64xf32, #tpu.memory_space<hbm>>
    %dma_wait3A_360 = arith.constant 0 : i32
    %dma_wait3A_361 = arith.constant 0 : i32
    %dma_wait3A_362 = tpu.memref_slice %arg4[%dma_wait3A_351, %dma_wait3A_360, %dma_wait3A_361] : memref<1024x200x64xf32, #tpu.memory_space<hbm>> -> memref<1x128x64xf32, #tpu.memory_space<hbm>>
    %dma_wait3A_363 = tpu.memref_squeeze %dma_wait3A_362 : memref<1x128x64xf32, #tpu.memory_space<hbm>> -> memref<128x64xf32, #tpu.memory_space<hbm>>
    %dma_wait3A_364 = arith.constant 0 : i32
    %dma_wait3A_365 = arith.constant 0 : i32
    %dma_wait3A_366 = tpu.memref_slice %arg6[%dma_wait3A_350, %dma_wait3A_364, %dma_wait3A_365] : memref<2x128x64xf32, #tpu.memory_space<vmem>> -> memref<1x128x64xf32, #tpu.memory_space<vmem>>
    %dma_wait3A_367 = tpu.memref_squeeze %dma_wait3A_366 : memref<1x128x64xf32, #tpu.memory_space<vmem>> -> memref<128x64xf32, #tpu.memory_space<vmem>>
    tpu.wait_dma2 semaphore(%arg12 : memref<!tpu.dma_semaphore, #tpu.memory_space<semaphore_mem>>) src(%dma_wait3A_367 : memref<128x64xf32, #tpu.memory_space<vmem>>) dst(%dma_wait3A_363 : memref<128x64xf32, #tpu.memory_space<hbm>>)
    %dma_wait3A_368 = arith.constant 0 : i32
    %dma_wait3A_369 = arith.constant 0 : i32
    %dma_wait3A_370 = arith.constant 0 : i32
    %dma_wait3A_371 = arith.constant 0 : i32
    %dma_wait3A_372 = tpu.memref_slice %arg7[%dma_wait3A_368, %dma_wait3A_370, %dma_wait3A_371] : memref<2x72x64xf32, #tpu.memory_space<vmem>> -> memref<1x72x64xf32, #tpu.memory_space<vmem>>
    %dma_wait3A_373 = tpu.memref_squeeze %dma_wait3A_372 : memref<1x72x64xf32, #tpu.memory_space<vmem>> -> memref<72x64xf32, #tpu.memory_space<vmem>>
    %dma_wait3A_374 = arith.constant 128 : i32
    %dma_wait3A_375 = arith.constant 0 : i32
    %dma_wait3A_376 = tpu.memref_slice %arg4[%dma_wait3A_369, %dma_wait3A_374, %dma_wait3A_375] : memref<1024x200x64xf32, #tpu.memory_space<hbm>> -> memref<1x72x64xf32, #tpu.memory_space<hbm>>
    %dma_wait3A_377 = tpu.memref_squeeze %dma_wait3A_376 : memref<1x72x64xf32, #tpu.memory_space<hbm>> -> memref<72x64xf32, #tpu.memory_space<hbm>>
    %dma_wait3A_378 = arith.constant 128 : i32
    %dma_wait3A_379 = arith.constant 0 : i32
    %dma_wait3A_380 = tpu.memref_slice %arg4[%dma_wait3A_369, %dma_wait3A_378, %dma_wait3A_379] : memref<1024x200x64xf32, #tpu.memory_space<hbm>> -> memref<1x72x64xf32, #tpu.memory_space<hbm>>
    %dma_wait3A_381 = tpu.memref_squeeze %dma_wait3A_380 : memref<1x72x64xf32, #tpu.memory_space<hbm>> -> memref<72x64xf32, #tpu.memory_space<hbm>>
    %dma_wait3A_382 = arith.constant 0 : i32
    %dma_wait3A_383 = arith.constant 0 : i32
    %dma_wait3A_384 = tpu.memref_slice %arg7[%dma_wait3A_368, %dma_wait3A_382, %dma_wait3A_383] : memref<2x72x64xf32, #tpu.memory_space<vmem>> -> memref<1x72x64xf32, #tpu.memory_space<vmem>>
    %dma_wait3A_385 = tpu.memref_squeeze %dma_wait3A_384 : memref<1x72x64xf32, #tpu.memory_space<vmem>> -> memref<72x64xf32, #tpu.memory_space<vmem>>
    tpu.wait_dma2 semaphore(%arg12 : memref<!tpu.dma_semaphore, #tpu.memory_space<semaphore_mem>>) src(%dma_wait3A_385 : memref<72x64xf32, #tpu.memory_space<vmem>>) dst(%dma_wait3A_381 : memref<72x64xf32, #tpu.memory_space<hbm>>)
    %dma_wait3A_386 = arith.constant 1 : i32
    %dma_wait3A_387 = arith.constant 0 : i32
    %dma_wait3A_388 = arith.constant 0 : i32
    %dma_wait3A_389 = arith.constant 0 : i32
    %dma_wait3A_390 = tpu.memref_slice %arg6[%dma_wait3A_386, %dma_wait3A_388, %dma_wait3A_389] : memref<2x128x64xf32, #tpu.memory_space<vmem>> -> memref<1x128x64xf32, #tpu.memory_space<vmem>>
    %dma_wait3A_391 = tpu.memref_squeeze %dma_wait3A_390 : memref<1x128x64xf32, #tpu.memory_space<vmem>> -> memref<128x64xf32, #tpu.memory_space<vmem>>
    %dma_wait3A_392 = arith.constant 0 : i32
    %dma_wait3A_393 = arith.constant 0 : i32
    %dma_wait3A_394 = tpu.memref_slice %arg4[%dma_wait3A_387, %dma_wait3A_392, %dma_wait3A_393] : memref<1024x200x64xf32, #tpu.memory_space<hbm>> -> memref<1x128x64xf32, #tpu.memory_space<hbm>>
    %dma_wait3A_395 = tpu.memref_squeeze %dma_wait3A_394 : memref<1x128x64xf32, #tpu.memory_space<hbm>> -> memref<128x64xf32, #tpu.memory_space<hbm>>
    %dma_wait3A_396 = arith.constant 0 : i32
    %dma_wait3A_397 = arith.constant 0 : i32
    %dma_wait3A_398 = tpu.memref_slice %arg4[%dma_wait3A_387, %dma_wait3A_396, %dma_wait3A_397] : memref<1024x200x64xf32, #tpu.memory_space<hbm>> -> memref<1x128x64xf32, #tpu.memory_space<hbm>>
    %dma_wait3A_399 = tpu.memref_squeeze %dma_wait3A_398 : memref<1x128x64xf32, #tpu.memory_space<hbm>> -> memref<128x64xf32, #tpu.memory_space<hbm>>
    %dma_wait3A_400 = arith.constant 0 : i32
    %dma_wait3A_401 = arith.constant 0 : i32
    %dma_wait3A_402 = tpu.memref_slice %arg6[%dma_wait3A_386, %dma_wait3A_400, %dma_wait3A_401] : memref<2x128x64xf32, #tpu.memory_space<vmem>> -> memref<1x128x64xf32, #tpu.memory_space<vmem>>
    %dma_wait3A_403 = tpu.memref_squeeze %dma_wait3A_402 : memref<1x128x64xf32, #tpu.memory_space<vmem>> -> memref<128x64xf32, #tpu.memory_space<vmem>>
    tpu.wait_dma2 semaphore(%arg12 : memref<!tpu.dma_semaphore, #tpu.memory_space<semaphore_mem>>) src(%dma_wait3A_403 : memref<128x64xf32, #tpu.memory_space<vmem>>) dst(%dma_wait3A_399 : memref<128x64xf32, #tpu.memory_space<hbm>>)
    %dma_wait3A_404 = arith.constant 1 : i32
    %dma_wait3A_405 = arith.constant 0 : i32
    %dma_wait3A_406 = arith.constant 0 : i32
    %dma_wait3A_407 = arith.constant 0 : i32
    %dma_wait3A_408 = tpu.memref_slice %arg7[%dma_wait3A_404, %dma_wait3A_406, %dma_wait3A_407] : memref<2x72x64xf32, #tpu.memory_space<vmem>> -> memref<1x72x64xf32, #tpu.memory_space<vmem>>
    %dma_wait3A_409 = tpu.memref_squeeze %dma_wait3A_408 : memref<1x72x64xf32, #tpu.memory_space<vmem>> -> memref<72x64xf32, #tpu.memory_space<vmem>>
    %dma_wait3A_410 = arith.constant 128 : i32
    %dma_wait3A_411 = arith.constant 0 : i32
    %dma_wait3A_412 = tpu.memref_slice %arg4[%dma_wait3A_405, %dma_wait3A_410, %dma_wait3A_411] : memref<1024x200x64xf32, #tpu.memory_space<hbm>> -> memref<1x72x64xf32, #tpu.memory_space<hbm>>
    %dma_wait3A_413 = tpu.memref_squeeze %dma_wait3A_412 : memref<1x72x64xf32, #tpu.memory_space<hbm>> -> memref<72x64xf32, #tpu.memory_space<hbm>>
    %dma_wait3A_414 = arith.constant 128 : i32
    %dma_wait3A_415 = arith.constant 0 : i32
    %dma_wait3A_416 = tpu.memref_slice %arg4[%dma_wait3A_405, %dma_wait3A_414, %dma_wait3A_415] : memref<1024x200x64xf32, #tpu.memory_space<hbm>> -> memref<1x72x64xf32, #tpu.memory_space<hbm>>
    %dma_wait3A_417 = tpu.memref_squeeze %dma_wait3A_416 : memref<1x72x64xf32, #tpu.memory_space<hbm>> -> memref<72x64xf32, #tpu.memory_space<hbm>>
    %dma_wait3A_418 = arith.constant 0 : i32
    %dma_wait3A_419 = arith.constant 0 : i32
    %dma_wait3A_420 = tpu.memref_slice %arg7[%dma_wait3A_404, %dma_wait3A_418, %dma_wait3A_419] : memref<2x72x64xf32, #tpu.memory_space<vmem>> -> memref<1x72x64xf32, #tpu.memory_space<vmem>>
    %dma_wait3A_421 = tpu.memref_squeeze %dma_wait3A_420 : memref<1x72x64xf32, #tpu.memory_space<vmem>> -> memref<72x64xf32, #tpu.memory_space<vmem>>
    tpu.wait_dma2 semaphore(%arg12 : memref<!tpu.dma_semaphore, #tpu.memory_space<semaphore_mem>>) src(%dma_wait3A_421 : memref<72x64xf32, #tpu.memory_space<vmem>>) dst(%dma_wait3A_417 : memref<72x64xf32, #tpu.memory_space<hbm>>)
    %dma_wait3A_422 = arith.constant 0 : i32
    %dma_wait3A_423 = arith.constant 0 : i32
    %dma_wait3A_424 = arith.constant 0 : i32
    %dma_wait3A_425 = arith.constant 0 : i32
    %dma_wait3A_426 = tpu.memref_slice %arg8[%dma_wait3A_422, %dma_wait3A_424, %dma_wait3A_425] : memref<2x128x64xf32, #tpu.memory_space<vmem>> -> memref<1x128x64xf32, #tpu.memory_space<vmem>>
    %dma_wait3A_427 = tpu.memref_squeeze %dma_wait3A_426 : memref<1x128x64xf32, #tpu.memory_space<vmem>> -> memref<128x64xf32, #tpu.memory_space<vmem>>
    %dma_wait3A_428 = arith.constant 0 : i32
    %dma_wait3A_429 = arith.constant 0 : i32
    %dma_wait3A_430 = tpu.memref_slice %arg4[%dma_wait3A_423, %dma_wait3A_428, %dma_wait3A_429] : memref<1024x200x64xf32, #tpu.memory_space<hbm>> -> memref<1x128x64xf32, #tpu.memory_space<hbm>>
    %dma_wait3A_431 = tpu.memref_squeeze %dma_wait3A_430 : memref<1x128x64xf32, #tpu.memory_space<hbm>> -> memref<128x64xf32, #tpu.memory_space<hbm>>
    %dma_wait3A_432 = arith.constant 0 : i32
    %dma_wait3A_433 = arith.constant 0 : i32
    %dma_wait3A_434 = tpu.memref_slice %arg4[%dma_wait3A_423, %dma_wait3A_432, %dma_wait3A_433] : memref<1024x200x64xf32, #tpu.memory_space<hbm>> -> memref<1x128x64xf32, #tpu.memory_space<hbm>>
    %dma_wait3A_435 = tpu.memref_squeeze %dma_wait3A_434 : memref<1x128x64xf32, #tpu.memory_space<hbm>> -> memref<128x64xf32, #tpu.memory_space<hbm>>
    %dma_wait3A_436 = arith.constant 0 : i32
    %dma_wait3A_437 = arith.constant 0 : i32
    %dma_wait3A_438 = tpu.memref_slice %arg8[%dma_wait3A_422, %dma_wait3A_436, %dma_wait3A_437] : memref<2x128x64xf32, #tpu.memory_space<vmem>> -> memref<1x128x64xf32, #tpu.memory_space<vmem>>
    %dma_wait3A_439 = tpu.memref_squeeze %dma_wait3A_438 : memref<1x128x64xf32, #tpu.memory_space<vmem>> -> memref<128x64xf32, #tpu.memory_space<vmem>>
    tpu.wait_dma2 semaphore(%arg13 : memref<!tpu.dma_semaphore, #tpu.memory_space<semaphore_mem>>) src(%dma_wait3A_439 : memref<128x64xf32, #tpu.memory_space<vmem>>) dst(%dma_wait3A_435 : memref<128x64xf32, #tpu.memory_space<hbm>>)
    %dma_wait3A_440 = arith.constant 0 : i32
    %dma_wait3A_441 = arith.constant 0 : i32
    %dma_wait3A_442 = arith.constant 0 : i32
    %dma_wait3A_443 = arith.constant 0 : i32
    %dma_wait3A_444 = tpu.memref_slice %arg9[%dma_wait3A_440, %dma_wait3A_442, %dma_wait3A_443] : memref<2x72x64xf32, #tpu.memory_space<vmem>> -> memref<1x72x64xf32, #tpu.memory_space<vmem>>
    %dma_wait3A_445 = tpu.memref_squeeze %dma_wait3A_444 : memref<1x72x64xf32, #tpu.memory_space<vmem>> -> memref<72x64xf32, #tpu.memory_space<vmem>>
    %dma_wait3A_446 = arith.constant 128 : i32
    %dma_wait3A_447 = arith.constant 0 : i32
    %dma_wait3A_448 = tpu.memref_slice %arg4[%dma_wait3A_441, %dma_wait3A_446, %dma_wait3A_447] : memref<1024x200x64xf32, #tpu.memory_space<hbm>> -> memref<1x72x64xf32, #tpu.memory_space<hbm>>
    %dma_wait3A_449 = tpu.memref_squeeze %dma_wait3A_448 : memref<1x72x64xf32, #tpu.memory_space<hbm>> -> memref<72x64xf32, #tpu.memory_space<hbm>>
    %dma_wait3A_450 = arith.constant 128 : i32
    %dma_wait3A_451 = arith.constant 0 : i32
    %dma_wait3A_452 = tpu.memref_slice %arg4[%dma_wait3A_441, %dma_wait3A_450, %dma_wait3A_451] : memref<1024x200x64xf32, #tpu.memory_space<hbm>> -> memref<1x72x64xf32, #tpu.memory_space<hbm>>
    %dma_wait3A_453 = tpu.memref_squeeze %dma_wait3A_452 : memref<1x72x64xf32, #tpu.memory_space<hbm>> -> memref<72x64xf32, #tpu.memory_space<hbm>>
    %dma_wait3A_454 = arith.constant 0 : i32
    %dma_wait3A_455 = arith.constant 0 : i32
    %dma_wait3A_456 = tpu.memref_slice %arg9[%dma_wait3A_440, %dma_wait3A_454, %dma_wait3A_455] : memref<2x72x64xf32, #tpu.memory_space<vmem>> -> memref<1x72x64xf32, #tpu.memory_space<vmem>>
    %dma_wait3A_457 = tpu.memref_squeeze %dma_wait3A_456 : memref<1x72x64xf32, #tpu.memory_space<vmem>> -> memref<72x64xf32, #tpu.memory_space<vmem>>
    tpu.wait_dma2 semaphore(%arg13 : memref<!tpu.dma_semaphore, #tpu.memory_space<semaphore_mem>>) src(%dma_wait3A_457 : memref<72x64xf32, #tpu.memory_space<vmem>>) dst(%dma_wait3A_453 : memref<72x64xf32, #tpu.memory_space<hbm>>)
    %dma_wait3A_458 = arith.constant 1 : i32
    %dma_wait3A_459 = arith.constant 0 : i32
    %dma_wait3A_460 = arith.constant 0 : i32
    %dma_wait3A_461 = arith.constant 0 : i32
    %dma_wait3A_462 = tpu.memref_slice %arg8[%dma_wait3A_458, %dma_wait3A_460, %dma_wait3A_461] : memref<2x128x64xf32, #tpu.memory_space<vmem>> -> memref<1x128x64xf32, #tpu.memory_space<vmem>>
    %dma_wait3A_463 = tpu.memref_squeeze %dma_wait3A_462 : memref<1x128x64xf32, #tpu.memory_space<vmem>> -> memref<128x64xf32, #tpu.memory_space<vmem>>
    %dma_wait3A_464 = arith.constant 0 : i32
    %dma_wait3A_465 = arith.constant 0 : i32
    %dma_wait3A_466 = tpu.memref_slice %arg4[%dma_wait3A_459, %dma_wait3A_464, %dma_wait3A_465] : memref<1024x200x64xf32, #tpu.memory_space<hbm>> -> memref<1x128x64xf32, #tpu.memory_space<hbm>>
    %dma_wait3A_467 = tpu.memref_squeeze %dma_wait3A_466 : memref<1x128x64xf32, #tpu.memory_space<hbm>> -> memref<128x64xf32, #tpu.memory_space<hbm>>
    %dma_wait3A_468 = arith.constant 0 : i32
    %dma_wait3A_469 = arith.constant 0 : i32
    %dma_wait3A_470 = tpu.memref_slice %arg4[%dma_wait3A_459, %dma_wait3A_468, %dma_wait3A_469] : memref<1024x200x64xf32, #tpu.memory_space<hbm>> -> memref<1x128x64xf32, #tpu.memory_space<hbm>>
    %dma_wait3A_471 = tpu.memref_squeeze %dma_wait3A_470 : memref<1x128x64xf32, #tpu.memory_space<hbm>> -> memref<128x64xf32, #tpu.memory_space<hbm>>
    %dma_wait3A_472 = arith.constant 0 : i32
    %dma_wait3A_473 = arith.constant 0 : i32
    %dma_wait3A_474 = tpu.memref_slice %arg8[%dma_wait3A_458, %dma_wait3A_472, %dma_wait3A_473] : memref<2x128x64xf32, #tpu.memory_space<vmem>> -> memref<1x128x64xf32, #tpu.memory_space<vmem>>
    %dma_wait3A_475 = tpu.memref_squeeze %dma_wait3A_474 : memref<1x128x64xf32, #tpu.memory_space<vmem>> -> memref<128x64xf32, #tpu.memory_space<vmem>>
    tpu.wait_dma2 semaphore(%arg13 : memref<!tpu.dma_semaphore, #tpu.memory_space<semaphore_mem>>) src(%dma_wait3A_475 : memref<128x64xf32, #tpu.memory_space<vmem>>) dst(%dma_wait3A_471 : memref<128x64xf32, #tpu.memory_space<hbm>>)
    %dma_wait3A_476 = arith.constant 1 : i32
    %dma_wait3A_477 = arith.constant 0 : i32
    %dma_wait3A_478 = arith.constant 0 : i32
    %dma_wait3A_479 = arith.constant 0 : i32
    %dma_wait3A_480 = tpu.memref_slice %arg9[%dma_wait3A_476, %dma_wait3A_478, %dma_wait3A_479] : memref<2x72x64xf32, #tpu.memory_space<vmem>> -> memref<1x72x64xf32, #tpu.memory_space<vmem>>
    %dma_wait3A_481 = tpu.memref_squeeze %dma_wait3A_480 : memref<1x72x64xf32, #tpu.memory_space<vmem>> -> memref<72x64xf32, #tpu.memory_space<vmem>>
    %dma_wait3A_482 = arith.constant 128 : i32
    %dma_wait3A_483 = arith.constant 0 : i32
    %dma_wait3A_484 = tpu.memref_slice %arg4[%dma_wait3A_477, %dma_wait3A_482, %dma_wait3A_483] : memref<1024x200x64xf32, #tpu.memory_space<hbm>> -> memref<1x72x64xf32, #tpu.memory_space<hbm>>
    %dma_wait3A_485 = tpu.memref_squeeze %dma_wait3A_484 : memref<1x72x64xf32, #tpu.memory_space<hbm>> -> memref<72x64xf32, #tpu.memory_space<hbm>>
    %dma_wait3A_486 = arith.constant 128 : i32
    %dma_wait3A_487 = arith.constant 0 : i32
    %dma_wait3A_488 = tpu.memref_slice %arg4[%dma_wait3A_477, %dma_wait3A_486, %dma_wait3A_487] : memref<1024x200x64xf32, #tpu.memory_space<hbm>> -> memref<1x72x64xf32, #tpu.memory_space<hbm>>
    %dma_wait3A_489 = tpu.memref_squeeze %dma_wait3A_488 : memref<1x72x64xf32, #tpu.memory_space<hbm>> -> memref<72x64xf32, #tpu.memory_space<hbm>>
    %dma_wait3A_490 = arith.constant 0 : i32
    %dma_wait3A_491 = arith.constant 0 : i32
    %dma_wait3A_492 = tpu.memref_slice %arg9[%dma_wait3A_476, %dma_wait3A_490, %dma_wait3A_491] : memref<2x72x64xf32, #tpu.memory_space<vmem>> -> memref<1x72x64xf32, #tpu.memory_space<vmem>>
    %dma_wait3A_493 = tpu.memref_squeeze %dma_wait3A_492 : memref<1x72x64xf32, #tpu.memory_space<vmem>> -> memref<72x64xf32, #tpu.memory_space<vmem>>
    tpu.wait_dma2 semaphore(%arg13 : memref<!tpu.dma_semaphore, #tpu.memory_space<semaphore_mem>>) src(%dma_wait3A_493 : memref<72x64xf32, #tpu.memory_space<vmem>>) dst(%dma_wait3A_489 : memref<72x64xf32, #tpu.memory_space<hbm>>)
    return
  }
}

</mosaic_0001>

<sc_bundles>
// kernel: _emb_call.3.cloned.1.call-start
scs
__scs_entry_jumppad:
0x0: {  	(pc) =	sbr.rel $0x88, $3  }
0x1: {  	(tag) =	ssettag $0x0;
	lr =	simm.s32 $0x1  }
0x2: {  	[smem:$0x3F9F] =	sst lr;
	_ =	strace $0xD0000000  }
0x3: {  	_ = 	snop  }
0x4: {  	_ = 	snop  }
0x5: {  	_ = 	snop  }
0x6: {  	_ = 	snop  }
0x7: {  	_ = 	snop  }
__scs_overlays_trampoline_lowered:
0x8: {  	[smem:$0x3FAE] =	sst s0  }
0x9: {  	[smem:$0x3FAF] =	sst s1  }
0xa: {  	[smem:$0x3FB0] =	sst s2  }
0xb: {  	[smem:$0x3FB1] =	sst s3  }
0xc: {  	[smem:$0x3FB2] =	sst s4  }
0xd: {  	[smem:$0x3FB3] =	sst s5  }
0xe: {  	[smem:$0x3FB4] =	sst s6  }
0xf: {  	[smem:$0x3FB5] =	sst s7  }
0x10: {  	[smem:$0x3FB6] =	sst s8  }
0x11: {  	[smem:$0x3FB7] =	sst s9;
	s0 =	simm.s32 @!p0 $0x0  }
0x12: {  	s1 =	sld [smem:$0x3F9D];
	s0 =	simm.s32 @p0 $0x1  }
0x13: {  	[smem:$0x3FB8] =	sst s0;
	s0 =	simm.s32 @!p1 $0x0  }
0x14: {  	s2 =	sld [smem:$0x3F9C];
	s0 =	simm.s32 @p1 $0x1  }
0x15: {  	[smem:$0x3FB9] =	sst s0;
	s0 =	simm.s32 @!p2 $0x0  }
0x16: {  	s3 =	sld [smem:$0x3FDB];
	s0 =	simm.s32 @p2 $0x1  }
0x17: {  	s4 =	simm.s32 $0x1BF5;
	[smem:$0x3FBB] =	sst s0  }
0x18: {  	s0 =	sld [smem:$0x3F9E];
	_ =	swait.ge [sflag:s4], $0x0  }
0x19: {  	s7 =	sld [smem:$0x3F9F]  }
0x1a: {  	s8 =	sadd.s32 $0xFFFFE003, lr  }
0x1b: {  	s9 =	sadd.s32 $0xFFFFFEF7, lr;
	s5 =	simm.s32 $0xFFFFFFFF;
	p2 =	slt.u32 s8, $0xFFFFF086  }
0x1c: {  	p1 =	slt.u32 s9, $0xF7A;
	s5 =	simm.s32 @!p2 $0x0  }
0x1d: {  	s5 =	simm.s32 @p1 $0x1;
	p0 =	seq.s32 s7, s2  }
0x1e: {  	s7 =	smul.u32 @!p0 $0xF7A, s2;
	p2 =	seq.s32 @!p0 s5, $0x0  }
0x1f: {  	s9 =	smul.u32 $0xF7A, s1;
	s8 =	simm.s32 @!p0 $0x1BF5;
	p2 =	por !p2, p0  }
0x20: {  	[sflag:s8] =	ssyncset.s32 @!p0 $0xFFFFF086;
	s6 =	sadd.s32 @!p0 s3, s7;
	s7 =	simm.s32 @!p0 $0x108  }
0x21: {  	s3 =	sadd.s32 s3, s9;
	s6 =	sadd.s32 @!p0 $0x88, s6;
	s7 =	simm.s32 @p2 $0x1082  }
0x22: {  	[simem:s7], [sflag:s8] =	dma.local @!p0 [hbm:s6], $0xF7A  }
0x23: {  	s9 =	sor.u32 $0xD0000000, s2;
	s6 =	simm.s32 $0x108;
	_ =	swait.ge @!p0 [sflag:s8], $0x0  }
0x24: {  	s3 =	sadd.s32 $0x88, s3;
	s6 =	simm.s32 @!p1 $0x1082;
	[sflag:s4] =	ssyncset.s32 $0xFFFFF086  }
0x25: {  	[simem:s6], [sflag:s4] =	dma.local [hbm:s3], $0xF7A  }
0x26: {  	[smem:$0x3F9F] =	sst s1;
	(tag) =	ssettag s2;
	_ =	strace s9  }
0x27: {  	s1 =	sld [smem:$0x3FAF]  }
0x28: {  	s2 =	sld [smem:$0x3FB0]  }
0x29: {  	s4 =	sld [smem:$0x3FB2]  }
0x2a: {  	p0 =	seq.s32 s5, $0x0;
	s5 =	sld [smem:$0x3FB3]  }
0x2b: {  	s6 =	sld [smem:$0x3FB4]  }
0x2c: {  	s7 =	sld [smem:$0x3FB5]  }
0x2d: {  	s3 =	simm.s32 $0x108;
	s8 =	sld [smem:$0x3FB6]  }
0x2e: {  	s3 =	simm.s32 @!p0 $0x1082;
	s9 =	sld [smem:$0x3FB7]  }
0x2f: {  	lr =	sadd.s32 s0, s3;
	s0 =	sld [smem:$0x3FAE]  }
0x30: {  	s3 =	sld [smem:$0x3FB1]  }
0x31: {  	[smem:$0x3FBA] =	sst s10  }
0x32: {  	s10 =	sld [smem:$0x3FB8];
	_ =	sdelay $0x3  }
0x33: {  	p0 =	seq.s32 s10, $0x1;
	s10 =	sld [smem:$0x3FBA];
	_ =	sdelay $0x3  }
0x34: {  	[smem:$0x3FBA] =	sst s10  }
0x35: {  	s10 =	sld [smem:$0x3FB9];
	_ =	sdelay $0x3  }
0x36: {  	p1 =	seq.s32 s10, $0x1;
	s10 =	sld [smem:$0x3FBA];
	_ =	sdelay $0x3  }
0x37: {  	[smem:$0x3FBA] =	sst s10  }
0x38: {  	s10 =	sld [smem:$0x3FBB]  }
0x39: {  	_ = 	snop;
	(pc) =	sbr.ind lr, $3  }
0x3a: {  	_ = 	snop  }
0x3b: {  	_ = 	snop  }
0x3c: {  	p2 =	seq.s32 s10, $0x1;
	s10 =	sld [smem:$0x3FBA]  }
0x3d: {  	_ =	shalt  }
0x3e: {  	_ =	shalt  }
0x3f: {  	_ =	shalt  }
0x40: {  	_ =	shalt  }
0x41: {  	_ =	shalt  }
0x42: {  	_ =	shalt  }
0x43: {  	_ =	shalt  }
0x44: {  	_ =	shalt  }
0x45: {  	_ =	shalt  }
0x46: {  	_ =	shalt  }
0x47: {  	_ =	shalt  }
0x48: {  	_ =	shalt  }
0x49: {  	_ =	shalt  }
0x4a: {  	_ =	shalt  }
0x4b: {  	_ =	shalt  }
0x4c: {  	_ =	shalt  }
0x4d: {  	_ =	shalt  }
0x4e: {  	_ =	shalt  }
0x4f: {  	_ =	shalt  }
0x50: {  	_ =	shalt  }
0x51: {  	_ =	shalt  }
0x52: {  	_ =	shalt  }
0x53: {  	_ =	shalt  }
0x54: {  	_ =	shalt  }
0x55: {  	_ =	shalt  }
0x56: {  	_ =	shalt  }
0x57: {  	_ =	shalt  }
0x58: {  	_ =	shalt  }
0x59: {  	_ =	shalt  }
0x5a: {  	_ =	shalt  }
0x5b: {  	_ =	shalt  }
0x5c: {  	_ =	shalt  }
0x5d: {  	_ =	shalt  }
0x5e: {  	_ =	shalt  }
0x5f: {  	_ =	shalt  }
0x60: {  	_ =	shalt  }
0x61: {  	_ =	shalt  }
0x62: {  	_ =	shalt  }
0x63: {  	_ =	shalt  }
0x64: {  	_ =	shalt  }
0x65: {  	_ =	shalt  }
0x66: {  	_ =	shalt  }
0x67: {  	_ =	shalt  }
0x68: {  	_ =	shalt  }
0x69: {  	_ =	shalt  }
0x6a: {  	_ =	shalt  }
0x6b: {  	_ =	shalt  }
0x6c: {  	_ =	shalt  }
0x6d: {  	_ =	shalt  }
0x6e: {  	_ =	shalt  }
0x6f: {  	_ =	shalt  }
0x70: {  	_ =	shalt  }
0x71: {  	_ =	shalt  }
0x72: {  	_ =	shalt  }
0x73: {  	_ =	shalt  }
0x74: {  	_ =	shalt  }
0x75: {  	_ =	shalt  }
0x76: {  	_ =	shalt  }
0x77: {  	_ =	shalt  }
0x78: {  	_ =	shalt  }
0x79: {  	_ =	shalt  }
0x7a: {  	_ =	shalt  }
0x7b: {  	_ =	shalt  }
0x7c: {  	_ =	shalt  }
0x7d: {  	_ =	shalt  }
0x7e: {  	_ =	shalt  }
0x7f: {  	_ =	shalt  }
0x80: {  	_ =	shalt  }
0x81: {  	_ =	shalt  }
0x82: {  	_ =	shalt  }
0x83: {  	_ =	shalt  }
0x84: {  	_ =	shalt  }
0x85: {  	_ =	shalt  }
0x86: {  	_ =	shalt  }
0x87: {  	_ =	shalt  }
.Lfunc_end0:
.L_simem_size_0:
called_computation.1_lowered:
.L_overlay_start_0:
0x88: {  	s2 =	sld [smem:$0x3FD9]  }
0x89: {  	s3 =	sld [smem:$0x3FFE];
	_ =	sdelay $0x1  }
0x8a: {  	s1 =	srdreg.scid  }
0x8b: {  	s0 =	sand.u32 $0x1, s1  }
0x8c: {  	s17 =	sshll.u32 s0, $0xA;
	s2 =	sadd.s32 s3, s2  }
0x8d: {  	s2 =	sadd.s32 s2, s17  }
0x8e: {  	[smem:$0x3FC6] =	sst s2  }
0x8f: {  	_ = 	snop  }
0x90: {  	s2 =	sld [smem:$0x3FD0];
	(tm) =	ssettm $0x1  }
0x91: {  	s18 =	sld [smem:$0x3FFB];
	_ =	sdelay $0x3  }
0x92: {  	_ =	strace s18  }
0x93: {  	s3 =	sld [smem:$0x3FFC];
	_ =	sdelay $0x3  }
0x94: {  	_ =	strace s3  }
0x95: {  	s3 =	sld [smem:$0x3FFD];
	_ =	sdelay $0x3  }
0x96: {  	_ =	strace s3  }
0x97: {  	_ =	strace $0x8FFFFFFF  }
0x98: {  	s19 =	sld [smem:$0x3FDB];
	_ =	sdelay $0x1  }
0x99: {  	s4 =	simm.s32 $_scs_section_size  }
0x9a: {  	s5 =	simm.s32 $_size__tile_overlayer_lowered;
	s6 =	simm.s32 $_tile_overlayer_lowered  }
0x9b: {  	s22 =	simm.s32 $0x1BFF;
	s21 =	sshll.u32 s6, $0x1;
	s3 =	sadd.s32 s4, s19  }
0x9c: {  	s7 =	simm.s32 $0x0;
	s20 =	sshll.u32 s5, $0x1;
	s5 =	sadd.s32 s21, s3  }
0x9d: {  	[timem:s7], [sflag:s22] =	dma.local [hbm:s5], s20  }
0x9e: {  	_ =	swait.ge [sflag:s22], s20  }
0x9f: {  	s4 =	ssub.s32 $0x0, s20;
	[sflag:s22] =	ssyncset.done $0x0  }
0xa0: {  	[sflag:s22] =	ssyncadd.s32 s4;
	_ =	sdelay $0x1  }
0xa1: {  	s23 =	simm.s32 $0x1B8B  }
0xa2: {  	_ =	swait.ge [sflag:s23], $0x1  }
0xa3: {  	[sflag:s23] =	ssyncset.done $0x0  }
0xa4: {  	s25 =	simm.s32 $0x1B8E;
	s24 =	sld [smem:$0x3FFE];
	[sflag:s23] =	ssyncadd.s32 $0xFFFFFFFF  }
0xa5: {  	s26 =	simm.s32 $execute0_lowered;
	[smem:$0x3FD2] =	sst s25  }
0xa6: {  	s5 =	sshll.u32 s26, $0x1;
	_ =	strace $0x80000046;
	[dreg:$0x1] =	wrdreg $0xFFFFFFFF  }
0xa7: {  	s28 =	simm.s32 $_size_execute0_lowered;
	s3 =	sadd.s32 s3, s5;
	[dreg:$0x0] =	wrdreg $0x0  }
0xa8: {  	s5 =	sshll.u32 s28, $0x1;
	[dreg:$0x2] =	wrdreg s3  }
0xa9: {  	[dreg:$0x3] =	wrdreg s5  }
0xaa: {  	[dreg:$0x4] =	wrdreg $0xC0  }
0xab: {  	_ =	task [dreg:s7], $0x5FFFF  }
0xac: {  	[dreg:$0x1] =	wrdreg $0xFFFFFFFF  }
0xad: {  	[dreg:$0x0] =	wrdreg $0x60  }
0xae: {  	[dreg:$0x2] =	wrdreg s24  }
0xaf: {  	[dreg:$0x3] =	wrdreg s2  }
0xb0: {  	[dreg:$0x4] =	wrdreg $0x9  }
0xb1: {  	_ =	task.clear_ibuf [dreg:s7], $0x5FFFF;
	_ =	strace $0x90000046  }
0xb2: {  	s29 =	simm.s32 $0x9;
	_ =	strace $0x80000048  }
0xb3: {  	_ =	swait.ge [sflag:s29], $0x1  }
0xb4: {  	[sflag:s29] =	ssyncadd.s32 $0xFFFFFFFF  }
0xb5: {  	_ =	strace $0x90000048  }
0xb6: {  	_ =	sfence  }
0xb7: {  	s30 =	sld [smem:$0x0];
	_ =	sdelay $0x2  }
0xb8: {  	s31 =	sshll.u32 s1, $0xD;
	s1 =	sshrl.u32 s1, $0x2  }
0xb9: {  	s3 =	sand.u32 $0x4000, s31;
	s1 =	sadd.s32 s1, s30  }
0xba: {  	s0 =	sor.u32 s3, s0;
	s1 =	sshll.u32 s1, $0x11  }
0xbb: {  	s0 =	sor.u32 s1, s0  }
0xbc: {  	s0 =	sadd.s32 $0x8F2B, s0  }
0xbd: {  	[sflag:s0] =	ssyncadd.remote.s32 $0x1  }
0xbe: {  	_ =	sfence.sel $0xFFFF  }
0xbf: {  	[dreg:$0x0] =	wrdreg $0xFFFFFFFF;
	(pc) =	sbr.abs _section_cstart, $3  }
0xc0: {  	[dreg:$0x1] =	wrdreg $0xFFFFFFFF  }
0xc1: {  	_ =	task.clear_ibuf [dreg:s7], $0x2FFFF;
	_ =	strace $0x9FFFFFFF  }
0xc2: {  	(tm) =	ssettm $0x7FFFFFFF  }
0xc3: {  	_ =	shalt  }
tec
execute0_lowered:
.L_overlay_start_1:
0x0: {  	(tag) =	ssettag $0x1  }
0x1: {  	s0 =	srdreg.scid;
	s1 =	rddreg [dreg:$0x0]  }
0x2: {  	s7 =	stileid.u32;
	s2 =	rddreg [dreg:$0x1]  }
0x3: {  	s28 =	simm.s32 $0xBD00;
	s0 =	sand.u32 $0x1, s0;
	s3 =	sshll.u32 s7, $0x6  }
0x4: {  	s9 =	smul.u32 $0xC8000, s7;
	s4 =	sshll.u32 s0, $0x5;
	s12 =	ssub.s32 $0x2, s0  }
0x5: {  	s0 =	smul.u32 $0x64000, s0;
	s4 =	sor.u32 s4, s3;
	s3 =	simm.s32 $0x0  }
0x6: {  	s30 =	simm.s32 $0x9D00;
	s5 =	smul.u32 $0x19, s4;
	[smem:$0x7FF] =	sst s3  }
0x7: {  	s6 =	smul.u32 $0x3200, s4;
	s4 =	sadd.s32 $0xF42E00, s1;
	s0 =	sadd.s32 s0, s9  }
0x8: {  	s14 =	sshrl.u32 s12, $0x1;
	_ =	strace $0x80000047;
	s18 =	sadd.s32 $0x6400, s0  }
0x9: {  	s20 =	sadd.s32 $0x9600, s0;
	s22 =	sadd.s32 $0xB600, s0;
	s24 =	sor.u32 $0x3200, s0  }
0xa: {  	s26 =	sadd.s32 $0x5200, s0;
	s5 =	sadd.s32 s5, s1;
	s6 =	sshrl.u32 s6, $0x3  }
0xb: {  	s1 =	ssub.s32 s12, s14;
	s12 =	sadd.s32 $0x8400, s0;
	s21 =	sshrl.u32 s20, $0x3  }
0xc: {  	s23 =	sshrl.u32 s22, $0x3;
	s25 =	sshrl.u32 s24, $0x3;
	s29 =	sshrl.u32 s26, $0x3  }
0xd: {  	s14 =	sor.u32 $0x2000, s0;
	s0 =	sshrl.u32 s0, $0x3;
	s20 =	simm.s32 $0x3  }
0xe: {  	s22 =	simm.s32 $0x2;
	s24 =	simm.s32 $0x4;
	[dreg:$0x5] =	wrdreg s21  }
0xf: {  	s26 =	simm.s32 $0x0;
	s13 =	sadd.s32 s2, s6;
	[dreg:$0x6] =	wrdreg s23  }
0x10: {  	s5 =	sadd.s32 $0xA00, s5;
	s19 =	sshrl.u32 s12, $0x3;
	[dreg:$0x7] =	wrdreg s25  }
0x11: {  	[dreg:$0x8] =	wrdreg s29;
	s31 =	sshrl.u32 s14, $0x3;
	s14 =	smax.u32 s1, $0x1  }
0x12: {  	[dreg:$0xa] =	wrdreg s0;
	s21 =	simm.s32 $0x3900;
	s23 =	simm.s32 $0x6B00  }
0x13: {  	s25 =	simm.s32 $0x7D00;
	s1 =	simm.s32 $0xCF00;
	[dreg:$0xb] =	wrdreg s5  }
0x14: {  	s0 =	simm.s32 $0x1;
	s15 =	sadd.s32 $0xAF00, s13;
	[dreg:$0x4] =	wrdreg s19  }
0x15: {  	s16 =	sadd.s32 $0xB300, s13;
	s17 =	sadd.s32 $0xB540, s13;
	[dreg:$0x9] =	wrdreg s31  }
0x16: {  	s9 =	sadd.s32 $0xB940, s13;
	s10 =	sadd.s32 $0xBB80, s13;
	[dreg:$0xc] =	wrdreg s15  }
0x17: {  	s11 =	sadd.s32 $0xBF80, s13;
	s5 =	sshrl.u32 s18, $0x3;
	[dreg:$0xd] =	wrdreg s16  }
0x18: {  	s12 =	sadd.s32 $0xC1C0, s13;
	s13 =	sadd.s32 $0xC5C0, s13;
	[dreg:$0xe] =	wrdreg s17  }
0x19: {  	s18 =	simm.s32 $0x48;
	s19 =	simm.s32 $0x5900;
	[dreg:$0x3] =	wrdreg s5  }
0x1a: {  	s15 =	simm.s32 $0x5;
	s16 =	simm.s32 $0x80;
	s17 =	simm.s32 $0x1900  }
.LBB2_1:
0x1b: {  	s5 =	rddreg [dreg:$0xb]  }
0x1c: {  	[tilespmem:s3], [sflag:$0x5] =	stream.linear.gather [hbm4b:s5+s3], $0x1900, $0x38;
	[tilespmem:$0xE100] =	vst v63  }
0x1d: {  	_ =	swait.ge [sflag:s15], $0x1900  }
0x1e: {  	[sflag:s15] =	ssyncset.done $0x0  }
0x1f: {  	[sflag:s15] =	ssyncadd.s32 $0xFFFFE700  }
0x20: {  	[tilespmem:s17], [sflag:$0x1] =	stream.indirect.gather [hbm4b:s4+s16], $0x40, s3, s16, $0xb8;
	[tilespmem:$0xE100] =	vst v63  }
0x21: {  	_ = 	snop  }
0x22: {  	[tilespmem:s19], [sflag:$0x1] =	stream.indirect.gather [hbm4b:s4+s18], $0x40, s16, s18, $0xb8;
	[tilespmem:$0xE100] =	vst v63  }
0x23: {  	s6 =	simm.s32 $0xC8  }
0x24: {  	[tilespmem:s21], [sflag:$0x1] =	stream.indirect.gather [hbm4b:s4+s16], $0x40, s6, s16, $0xb8;
	[tilespmem:$0xE100] =	vst v63  }
0x25: {  	s7 =	simm.s32 $0x148  }
0x26: {  	[tilespmem:s23], [sflag:$0x1] =	stream.indirect.gather [hbm4b:s4+s18], $0x40, s7, s18, $0xb8;
	[tilespmem:$0xE100] =	vst v63  }
0x27: {  	s8 =	simm.s32 $0x190  }
0x28: {  	[tilespmem:s25], [sflag:$0x2] =	stream.indirect.gather [hbm4b:s4+s16], $0x40, s8, s16, $0xb8;
	[tilespmem:$0xE100] =	vst v63  }
0x29: {  	s6 =	simm.s32 $0x210  }
0x2a: {  	[tilespmem:s28], [sflag:$0x2] =	stream.indirect.gather [hbm4b:s4+s18], $0x40, s6, s18, $0xb8;
	[tilespmem:$0xE100] =	vst v63  }
0x2b: {  	s7 =	simm.s32 $0x258  }
0x2c: {  	[tilespmem:s30], [sflag:$0x2] =	stream.indirect.gather [hbm4b:s4+s16], $0x40, s7, s16, $0xb8;
	[tilespmem:$0xE100] =	vst v63  }
0x2d: {  	s8 =	simm.s32 $0x2D8  }
0x2e: {  	[tilespmem:s1], [sflag:$0x2] =	stream.indirect.gather [hbm4b:s4+s18], $0x40, s8, s18, $0xb8;
	[tilespmem:$0xE100] =	vst v63  }
0x2f: {  	_ =	swait.ge [sflag:s0], $0x2000  }
0x30: {  	[sflag:s0] =	ssyncset.done $0x0  }
0x31: {  	[sflag:s0] =	ssyncadd.s32 $0xFFFFE000  }
0x32: {  	_ =	swait.ge [sflag:s0], $0x1200  }
0x33: {  	[sflag:s0] =	ssyncset.done $0x0  }
0x34: {  	[sflag:s0] =	ssyncadd.s32 $0xFFFFEE00  }
0x35: {  	_ =	swait.ge [sflag:s0], $0x2000  }
0x36: {  	[sflag:s0] =	ssyncset.done $0x0  }
0x37: {  	[sflag:s0] =	ssyncadd.s32 $0xFFFFE000  }
0x38: {  	_ =	swait.ge [sflag:s0], $0x1200  }
0x39: {  	s6 =	rddreg [dreg:$0xa];
	[sflag:s0] =	ssyncset.done $0x0  }
0x3a: {  	s29 =	rddreg [dreg:$0x9];
	[sflag:s0] =	ssyncadd.s32 $0xFFFFEE00;
	s5 =	sadd.s32 s2, s6  }
0x3b: {  	[hbm4b:s5+s3] =	stream.linear.scatter [tilespmem:s17], [sflag:$0x3], $0x2000, $0x38;
	[tilespmem:$0xE100] =	vst v63  }
0x3c: {  	s31 =	rddreg [dreg:$0x7];
	s7 =	sadd.s32 s2, s29  }
0x3d: {  	[hbm4b:s7+s3] =	stream.linear.scatter [tilespmem:s19], [sflag:$0x3], $0x1200, $0x38;
	[tilespmem:$0xE100] =	vst v63  }
0x3e: {  	s29 =	rddreg [dreg:$0x8];
	s8 =	sadd.s32 s2, s31  }
0x3f: {  	[hbm4b:s8+s3] =	stream.linear.scatter [tilespmem:s21], [sflag:$0x3], $0x2000, $0x38;
	[tilespmem:$0xE100] =	vst v63  }
0x40: {  	s6 =	sadd.s32 s2, s29  }
0x41: {  	[hbm4b:s6+s3] =	stream.linear.scatter [tilespmem:s23], [sflag:$0x3], $0x1200, $0x38;
	[tilespmem:$0xE100] =	vst v63  }
0x42: {  	_ =	swait.ge [sflag:s20], $0x2000  }
0x43: {  	[sflag:s20] =	ssyncset.done $0x0  }
0x44: {  	[sflag:s20] =	ssyncadd.s32 $0xFFFFE000  }
0x45: {  	_ =	swait.ge [sflag:s20], $0x1200  }
0x46: {  	[sflag:s20] =	ssyncset.done $0x0  }
0x47: {  	[sflag:s20] =	ssyncadd.s32 $0xFFFFEE00  }
0x48: {  	_ =	swait.ge [sflag:s20], $0x2000  }
0x49: {  	[sflag:s20] =	ssyncset.done $0x0  }
0x4a: {  	[sflag:s20] =	ssyncadd.s32 $0xFFFFE000  }
0x4b: {  	_ =	swait.ge [sflag:s20], $0x1200  }
0x4c: {  	[sflag:s20] =	ssyncset.done $0x0  }
0x4d: {  	s7 =	simm.s32 $0x320;
	[sflag:s20] =	ssyncadd.s32 $0xFFFFEE00  }
0x4e: {  	[tilespmem:s17], [sflag:$0x1] =	stream.indirect.gather [hbm4b:s4+s16], $0x40, s7, s16, $0xb8;
	[tilespmem:$0xE100] =	vst v63  }
0x4f: {  	s8 =	simm.s32 $0x3A0  }
0x50: {  	[tilespmem:s19], [sflag:$0x1] =	stream.indirect.gather [hbm4b:s4+s18], $0x40, s8, s18, $0xb8;
	[tilespmem:$0xE100] =	vst v63  }
0x51: {  	s6 =	simm.s32 $0x3E8  }
0x52: {  	[tilespmem:s21], [sflag:$0x1] =	stream.indirect.gather [hbm4b:s4+s16], $0x40, s6, s16, $0xb8;
	[tilespmem:$0xE100] =	vst v63  }
0x53: {  	s7 =	simm.s32 $0x468  }
0x54: {  	[tilespmem:s23], [sflag:$0x1] =	stream.indirect.gather [hbm4b:s4+s18], $0x40, s7, s18, $0xb8;
	[tilespmem:$0xE100] =	vst v63  }
0x55: {  	_ =	swait.ge [sflag:s22], $0x2000  }
0x56: {  	[sflag:s22] =	ssyncset.done $0x0  }
0x57: {  	[sflag:s22] =	ssyncadd.s32 $0xFFFFE000  }
0x58: {  	_ =	swait.ge [sflag:s22], $0x1200  }
0x59: {  	[sflag:s22] =	ssyncset.done $0x0  }
0x5a: {  	[sflag:s22] =	ssyncadd.s32 $0xFFFFEE00  }
0x5b: {  	_ =	swait.ge [sflag:s22], $0x2000  }
0x5c: {  	[sflag:s22] =	ssyncset.done $0x0  }
0x5d: {  	[sflag:s22] =	ssyncadd.s32 $0xFFFFE000  }
0x5e: {  	_ =	swait.ge [sflag:s22], $0x1200  }
0x5f: {  	s8 =	rddreg [dreg:$0x3];
	[sflag:s22] =	ssyncset.done $0x0  }
0x60: {  	s29 =	rddreg [dreg:$0x4];
	[sflag:s22] =	ssyncadd.s32 $0xFFFFEE00;
	s5 =	sadd.s32 s2, s8  }
0x61: {  	[hbm4b:s5+s3] =	stream.linear.scatter [tilespmem:s25], [sflag:$0x4], $0x2000, $0x38;
	[tilespmem:$0xE100] =	vst v63  }
0x62: {  	s31 =	rddreg [dreg:$0x5];
	s6 =	sadd.s32 s2, s29  }
0x63: {  	[hbm4b:s6+s3] =	stream.linear.scatter [tilespmem:s28], [sflag:$0x4], $0x1200, $0x38;
	[tilespmem:$0xE100] =	vst v63  }
0x64: {  	s29 =	rddreg [dreg:$0x6];
	s7 =	sadd.s32 s2, s31  }
0x65: {  	[hbm4b:s7+s3] =	stream.linear.scatter [tilespmem:s30], [sflag:$0x4], $0x2000, $0x38;
	[tilespmem:$0xE100] =	vst v63  }
0x66: {  	s8 =	sadd.s32 s2, s29  }
0x67: {  	[hbm4b:s8+s3] =	stream.linear.scatter [tilespmem:s1], [sflag:$0x4], $0x1200, $0x38;
	[tilespmem:$0xE100] =	vst v63  }
0x68: {  	_ =	swait.ge [sflag:s24], $0x2000  }
0x69: {  	[sflag:s24] =	ssyncset.done $0x0  }
0x6a: {  	[sflag:s24] =	ssyncadd.s32 $0xFFFFE000  }
0x6b: {  	_ =	swait.ge [sflag:s24], $0x1200  }
0x6c: {  	[sflag:s24] =	ssyncset.done $0x0  }
0x6d: {  	[sflag:s24] =	ssyncadd.s32 $0xFFFFEE00  }
0x6e: {  	_ =	swait.ge [sflag:s24], $0x2000  }
0x6f: {  	[sflag:s24] =	ssyncset.done $0x0  }
0x70: {  	[sflag:s24] =	ssyncadd.s32 $0xFFFFE000  }
0x71: {  	_ =	swait.ge [sflag:s24], $0x1200  }
0x72: {  	[sflag:s24] =	ssyncset.done $0x0  }
0x73: {  	s6 =	simm.s32 $0x4B0;
	[sflag:s24] =	ssyncadd.s32 $0xFFFFEE00  }
0x74: {  	[tilespmem:s25], [sflag:$0x2] =	stream.indirect.gather [hbm4b:s4+s16], $0x40, s6, s16, $0xb8;
	[tilespmem:$0xE100] =	vst v63  }
0x75: {  	s31 =	sadd.s32 $0x1900, s2;
	s7 =	simm.s32 $0x530  }
0x76: {  	[tilespmem:s28], [sflag:$0x2] =	stream.indirect.gather [hbm4b:s4+s18], $0x40, s7, s18, $0xb8;
	[tilespmem:$0xE100] =	vst v63  }
0x77: {  	s29 =	simm.s32 $0xC80;
	s5 =	simm.s32 $0x5F8;
	s8 =	simm.s32 $0x578  }
0x78: {  	[tilespmem:s30], [sflag:$0x2] =	stream.indirect.gather [hbm4b:s4+s16], $0x40, s8, s16, $0xb8;
	[tilespmem:$0xE100] =	vst v63  }
.LBB2_2:
0x79: {  	[tilespmem:s1], [sflag:$0x2] =	stream.indirect.gather [hbm4b:s4+s18], $0x40, s5, s18, $0xb8;
	[tilespmem:$0xE100] =	vst v63  }
0x7a: {  	_ =	swait.ge [sflag:s0], $0x2000  }
0x7b: {  	[sflag:s0] =	ssyncset.done $0x0  }
0x7c: {  	[sflag:s0] =	ssyncadd.s32 $0xFFFFE000  }
0x7d: {  	_ =	swait.ge [sflag:s0], $0x1200  }
0x7e: {  	[sflag:s0] =	ssyncset.done $0x0  }
0x7f: {  	[sflag:s0] =	ssyncadd.s32 $0xFFFFEE00  }
0x80: {  	_ =	swait.ge [sflag:s0], $0x2000  }
0x81: {  	[sflag:s0] =	ssyncset.done $0x0  }
0x82: {  	[sflag:s0] =	ssyncadd.s32 $0xFFFFE000  }
0x83: {  	_ =	swait.ge [sflag:s0], $0x1200  }
0x84: {  	s6 =	rddreg [dreg:$0xa];
	[sflag:s0] =	ssyncset.done $0x0  }
0x85: {  	s7 =	rddreg [dreg:$0x9];
	[sflag:s0] =	ssyncadd.s32 $0xFFFFEE00;
	s6 =	sadd.s32 s31, s6  }
0x86: {  	[hbm4b:s6+s3] =	stream.linear.scatter [tilespmem:s17], [sflag:$0x3], $0x2000, $0x38;
	[tilespmem:$0xE100] =	vst v63  }
0x87: {  	s8 =	rddreg [dreg:$0x7];
	s6 =	sadd.s32 s31, s7  }
0x88: {  	[hbm4b:s6+s3] =	stream.linear.scatter [tilespmem:s19], [sflag:$0x3], $0x1200, $0x38;
	[tilespmem:$0xE100] =	vst v63  }
0x89: {  	s8 =	sadd.s32 s31, s8;
	s7 =	rddreg [dreg:$0x8]  }
0x8a: {  	[hbm4b:s8+s3] =	stream.linear.scatter [tilespmem:s21], [sflag:$0x3], $0x2000, $0x38;
	[tilespmem:$0xE100] =	vst v63  }
0x8b: {  	s7 =	sadd.s32 s31, s7  }
0x8c: {  	[hbm4b:s7+s3] =	stream.linear.scatter [tilespmem:s23], [sflag:$0x3], $0x1200, $0x38;
	[tilespmem:$0xE100] =	vst v63  }
0x8d: {  	_ =	swait.ge [sflag:s20], $0x2000  }
0x8e: {  	[sflag:s20] =	ssyncset.done $0x0  }
0x8f: {  	[sflag:s20] =	ssyncadd.s32 $0xFFFFE000  }
0x90: {  	_ =	swait.ge [sflag:s20], $0x1200  }
0x91: {  	[sflag:s20] =	ssyncset.done $0x0  }
0x92: {  	[sflag:s20] =	ssyncadd.s32 $0xFFFFEE00  }
0x93: {  	_ =	swait.ge [sflag:s20], $0x2000  }
0x94: {  	[sflag:s20] =	ssyncset.done $0x0  }
0x95: {  	[sflag:s20] =	ssyncadd.s32 $0xFFFFE000  }
0x96: {  	s5 =	smov.u32 s29;
	_ =	swait.ge [sflag:s20], $0x1200  }
0x97: {  	s5 =	sshra.s32 s5, $0x2;
	[sflag:s20] =	ssyncset.done $0x0  }
0x98: {  	s8 =	sadd.s32 $0x320, s5;
	[sflag:s20] =	ssyncadd.s32 $0xFFFFEE00  }
0x99: {  	[tilespmem:s17], [sflag:$0x1] =	stream.indirect.gather [hbm4b:s4+s16], $0x40, s8, s16, $0xb8;
	[tilespmem:$0xE100] =	vst v63  }
0x9a: {  	s7 =	sadd.s32 $0x3A0, s5  }
0x9b: {  	[tilespmem:s19], [sflag:$0x1] =	stream.indirect.gather [hbm4b:s4+s18], $0x40, s7, s18, $0xb8;
	[tilespmem:$0xE100] =	vst v63  }
0x9c: {  	s8 =	sadd.s32 $0x3E8, s5  }
0x9d: {  	[tilespmem:s21], [sflag:$0x1] =	stream.indirect.gather [hbm4b:s4+s16], $0x40, s8, s16, $0xb8;
	[tilespmem:$0xE100] =	vst v63  }
0x9e: {  	s7 =	sadd.s32 $0x468, s5  }
0x9f: {  	[tilespmem:s23], [sflag:$0x1] =	stream.indirect.gather [hbm4b:s4+s18], $0x40, s7, s18, $0xb8;
	[tilespmem:$0xE100] =	vst v63  }
0xa0: {  	_ =	swait.ge [sflag:s22], $0x2000  }
0xa1: {  	[sflag:s22] =	ssyncset.done $0x0  }
0xa2: {  	[sflag:s22] =	ssyncadd.s32 $0xFFFFE000  }
0xa3: {  	_ =	swait.ge [sflag:s22], $0x1200  }
0xa4: {  	[sflag:s22] =	ssyncset.done $0x0  }
0xa5: {  	[sflag:s22] =	ssyncadd.s32 $0xFFFFEE00  }
0xa6: {  	_ =	swait.ge [sflag:s22], $0x2000  }
0xa7: {  	[sflag:s22] =	ssyncset.done $0x0  }
0xa8: {  	[sflag:s22] =	ssyncadd.s32 $0xFFFFE000  }
0xa9: {  	_ =	swait.ge [sflag:s22], $0x1200  }
0xaa: {  	s8 =	rddreg [dreg:$0x3];
	[sflag:s22] =	ssyncset.done $0x0  }
0xab: {  	s7 =	rddreg [dreg:$0x4];
	[sflag:s22] =	ssyncadd.s32 $0xFFFFEE00;
	s6 =	sadd.s32 s31, s8  }
0xac: {  	[hbm4b:s6+s3] =	stream.linear.scatter [tilespmem:s25], [sflag:$0x4], $0x2000, $0x38;
	[tilespmem:$0xE100] =	vst v63  }
0xad: {  	s8 =	rddreg [dreg:$0x5];
	s6 =	sadd.s32 s31, s7  }
0xae: {  	[hbm4b:s6+s3] =	stream.linear.scatter [tilespmem:s28], [sflag:$0x4], $0x1200, $0x38;
	[tilespmem:$0xE100] =	vst v63  }
0xaf: {  	s7 =	rddreg [dreg:$0x6];
	s8 =	sadd.s32 s31, s8  }
0xb0: {  	[hbm4b:s8+s3] =	stream.linear.scatter [tilespmem:s30], [sflag:$0x4], $0x2000, $0x38;
	[tilespmem:$0xE100] =	vst v63  }
0xb1: {  	s7 =	sadd.s32 s31, s7  }
0xb2: {  	[hbm4b:s7+s3] =	stream.linear.scatter [tilespmem:s1], [sflag:$0x4], $0x1200, $0x38;
	[tilespmem:$0xE100] =	vst v63  }
0xb3: {  	_ =	swait.ge [sflag:s24], $0x2000  }
0xb4: {  	[sflag:s24] =	ssyncset.done $0x0  }
0xb5: {  	[sflag:s24] =	ssyncadd.s32 $0xFFFFE000  }
0xb6: {  	_ =	swait.ge [sflag:s24], $0x1200  }
0xb7: {  	[sflag:s24] =	ssyncset.done $0x0  }
0xb8: {  	[sflag:s24] =	ssyncadd.s32 $0xFFFFEE00  }
0xb9: {  	_ =	swait.ge [sflag:s24], $0x2000  }
0xba: {  	[sflag:s24] =	ssyncset.done $0x0  }
0xbb: {  	[sflag:s24] =	ssyncadd.s32 $0xFFFFE000  }
0xbc: {  	_ =	swait.ge [sflag:s24], $0x1200  }
0xbd: {  	[sflag:s24] =	ssyncset.done $0x0  }
0xbe: {  	p0 =	sne.s32 s29, $0x4B00;
	s8 =	sadd.s32 $0x4B0, s5;
	[sflag:s24] =	ssyncadd.s32 $0xFFFFEE00  }
0xbf: {  	[tilespmem:s25], [sflag:$0x2] =	stream.indirect.gather [hbm4b:s4+s16], $0x40, s8, s16, $0xb8;
	[tilespmem:$0xE100] =	vst v63  }
.Ltmp0:
0xc0: {  	_ = 	snop;
	(pc) =	sbr.rel @p0 .LBB2_2-.Ltmp0, $4  }
0xc1: {  	s29 =	sadd.s32 $0xC80, s29;
	s7 =	sadd.s32 $0x530, s5  }
0xc2: {  	[tilespmem:s28], [sflag:$0x2] =	stream.indirect.gather [hbm4b:s4+s18], $0x40, s7, s18, $0xb8;
	[tilespmem:$0xE100] =	vst v63  }
0xc3: {  	s31 =	sadd.s32 $0x1900, s31;
	s8 =	sadd.s32 $0x578, s5;
	s5 =	sadd.s32 $0x5F8, s5  }
0xc4: {  	[tilespmem:s30], [sflag:$0x2] =	stream.indirect.gather [hbm4b:s4+s16], $0x40, s8, s16, $0xb8;
	[tilespmem:$0xE100] =	vst v63  }
0xc5: {  	[tilespmem:s1], [sflag:$0x2] =	stream.indirect.gather [hbm4b:s4+s18], $0x40, s5, s18, $0xb8;
	[tilespmem:$0xE100] =	vst v63  }
0xc6: {  	_ =	swait.ge [sflag:s0], $0x2000  }
0xc7: {  	[sflag:s0] =	ssyncset.done $0x0  }
0xc8: {  	[sflag:s0] =	ssyncadd.s32 $0xFFFFE000  }
0xc9: {  	_ =	swait.ge [sflag:s0], $0x1200  }
0xca: {  	[sflag:s0] =	ssyncset.done $0x0  }
0xcb: {  	[sflag:s0] =	ssyncadd.s32 $0xFFFFEE00  }
0xcc: {  	_ =	swait.ge [sflag:s0], $0x2000  }
0xcd: {  	[sflag:s0] =	ssyncset.done $0x0  }
0xce: {  	[sflag:s0] =	ssyncadd.s32 $0xFFFFE000  }
0xcf: {  	_ =	swait.ge [sflag:s0], $0x1200  }
0xd0: {  	[sflag:s0] =	ssyncset.done $0x0  }
0xd1: {  	s8 =	rddreg [dreg:$0xc];
	[sflag:s0] =	ssyncadd.s32 $0xFFFFEE00  }
0xd2: {  	[hbm4b:s8+s3] =	stream.linear.scatter [tilespmem:s17], [sflag:$0x3], $0x2000, $0x38;
	[tilespmem:$0xE100] =	vst v63  }
0xd3: {  	s29 =	rddreg [dreg:$0xd]  }
0xd4: {  	[hbm4b:s29+s3] =	stream.linear.scatter [tilespmem:s19], [sflag:$0x3], $0x1200, $0x38;
	[tilespmem:$0xE100] =	vst v63  }
0xd5: {  	s31 =	rddreg [dreg:$0xe]  }
0xd6: {  	[hbm4b:s31+s3] =	stream.linear.scatter [tilespmem:s21], [sflag:$0x3], $0x2000, $0x38;
	[tilespmem:$0xE100] =	vst v63  }
0xd7: {  	_ = 	snop  }
0xd8: {  	[hbm4b:s9+s3] =	stream.linear.scatter [tilespmem:s23], [sflag:$0x3], $0x1200, $0x38;
	[tilespmem:$0xE100] =	vst v63  }
0xd9: {  	_ =	swait.ge [sflag:s22], $0x2000  }
0xda: {  	[sflag:s22] =	ssyncset.done $0x0  }
0xdb: {  	[sflag:s22] =	ssyncadd.s32 $0xFFFFE000  }
0xdc: {  	_ =	swait.ge [sflag:s22], $0x1200  }
0xdd: {  	[sflag:s22] =	ssyncset.done $0x0  }
0xde: {  	[sflag:s22] =	ssyncadd.s32 $0xFFFFEE00  }
0xdf: {  	_ =	swait.ge [sflag:s22], $0x2000  }
0xe0: {  	[sflag:s22] =	ssyncset.done $0x0  }
0xe1: {  	[sflag:s22] =	ssyncadd.s32 $0xFFFFE000  }
0xe2: {  	_ =	swait.ge [sflag:s22], $0x1200  }
0xe3: {  	[sflag:s22] =	ssyncset.done $0x0  }
0xe4: {  	[sflag:s22] =	ssyncadd.s32 $0xFFFFEE00  }
0xe5: {  	[hbm4b:s10+s3] =	stream.linear.scatter [tilespmem:s25], [sflag:$0x4], $0x2000, $0x38;
	[tilespmem:$0xE100] =	vst v63  }
0xe6: {  	_ = 	snop  }
0xe7: {  	[hbm4b:s11+s3] =	stream.linear.scatter [tilespmem:s28], [sflag:$0x4], $0x1200, $0x38;
	[tilespmem:$0xE100] =	vst v63  }
0xe8: {  	_ = 	snop  }
0xe9: {  	[hbm4b:s12+s3] =	stream.linear.scatter [tilespmem:s30], [sflag:$0x4], $0x2000, $0x38;
	[tilespmem:$0xE100] =	vst v63  }
0xea: {  	_ = 	snop  }
0xeb: {  	[hbm4b:s13+s3] =	stream.linear.scatter [tilespmem:s1], [sflag:$0x4], $0x1200, $0x38;
	[tilespmem:$0xE100] =	vst v63  }
0xec: {  	_ =	swait.ge [sflag:s20], $0x2000  }
0xed: {  	[sflag:s20] =	ssyncset.done $0x0  }
0xee: {  	[sflag:s20] =	ssyncadd.s32 $0xFFFFE000  }
0xef: {  	_ =	swait.ge [sflag:s20], $0x1200  }
0xf0: {  	[sflag:s20] =	ssyncset.done $0x0  }
0xf1: {  	[sflag:s20] =	ssyncadd.s32 $0xFFFFEE00  }
0xf2: {  	_ =	swait.ge [sflag:s20], $0x2000  }
0xf3: {  	[sflag:s20] =	ssyncset.done $0x0  }
0xf4: {  	[sflag:s20] =	ssyncadd.s32 $0xFFFFE000  }
0xf5: {  	_ =	swait.ge [sflag:s20], $0x1200  }
0xf6: {  	[sflag:s20] =	ssyncset.done $0x0  }
0xf7: {  	[sflag:s20] =	ssyncadd.s32 $0xFFFFEE00  }
0xf8: {  	_ =	swait.ge [sflag:s24], $0x2000  }
0xf9: {  	[sflag:s24] =	ssyncset.done $0x0  }
0xfa: {  	[sflag:s24] =	ssyncadd.s32 $0xFFFFE000  }
0xfb: {  	_ =	swait.ge [sflag:s24], $0x1200  }
0xfc: {  	[sflag:s24] =	ssyncset.done $0x0  }
0xfd: {  	s26 =	sadd.s32 $0x1, s26;
	[sflag:s24] =	ssyncadd.s32 $0xFFFFEE00  }
0xfe: {  	p0 =	sne.s32 s26, s14;
	_ =	swait.ge [sflag:s24], $0x2000  }
.Ltmp1:
0xff: {  	[sflag:s24] =	ssyncset.done $0x0;
	(pc) =	sbr.rel @p0 .LBB2_1-.Ltmp1, $4  }
0x100: {  	[sflag:s24] =	ssyncadd.s32 $0xFFFFE000  }
0x101: {  	_ =	swait.ge [sflag:s24], $0x1200  }
0x102: {  	[sflag:s24] =	ssyncset.done $0x0  }
0x103: {  	[sflag:s24] =	ssyncadd.s32 $0xFFFFEE00  }
0x104: {  	_ =	sfence.sel $0x180000  }
0x105: {  	[bflag:$0x0] =	sbarrier.arrive $0xFFFF  }
0x106: {  	_ =	strace $0x90000047  }
0x107: {  	s0 =	stileid.u32;
	[bflag:$0x2] =	sbarrier.arrive $0xFFFF  }
0x108: {  	p0 =	sne.s32 s0, $0x0;
	s0 =	rddreg [dreg:$0x2]  }
0x109: {  	s0 =	sadd.s32 @!p0 $0x100000, s0  }
0x10a: {  	[sflag:s0] =	ssyncadd.tile.s32 @!p0 $0x1;
	_ =	shalt  }
.Lfunc_end2:
_tile_overlayer_lowered:
.L_overlay_start_2:
0x10b: {  	(tag) =	ssettag $0x2  }
0x10c: {  	s0 =	rddreg [dreg:$0x0];
	s2 =	stileid.u32  }
0x10d: {  	s1 =	rddreg [dreg:$0x1];
	p0 =	sne.s32 s2, $0x0  }
0x10e: {  	s3 =	rddreg [dreg:$0x2];
	[bflag:$0x3] =	sbarrier.arrive $0xFFFF;
	s2 =	simm.s32 @!p0 $0x1C05  }
0x10f: {  	[timem:s3], [sflag:s2] =	dma.local @!p0 [hbm:s0], s1  }
0x110: {  	s0 =	simm.s32 @!p0 $0x5  }
0x111: {  	_ =	swait.ge @!p0 [sflag:s0], s1  }
0x112: {  	s1 =	ssub.s32 @!p0 $0x0, s1;
	[sflag:s0] =	ssyncset.done @!p0 $0x0  }
0x113: {  	[sflag:s0] =	ssyncadd.s32 @!p0 s1  }
0x114: {  	[bflag:$0x3] =	sbarrier.arrive $0xFFFF  }
0x115: {  	_ =	shalt  }

// kernel: sparse-core-data-format-call.cloned.1.call-start
scs
called_computation_lowered:
.L_overlay_start_0:
0x0: {  	s2 =	sld [smem:$0x3FD9]  }
0x1: {  	s3 =	sld [smem:$0x3FFE];
	_ =	sdelay $0x1  }
0x2: {  	s1 =	srdreg.scid  }
0x3: {  	s0 =	sand.u32 $0x1, s1  }
0x4: {  	s18 =	sshll.u32 s0, $0xA;
	s2 =	sadd.s32 s3, s2  }
0x5: {  	s2 =	sadd.s32 s2, s18  }
0x6: {  	[smem:$0x3FC6] =	sst s2  }
0x7: {  	_ = 	snop  }
0x8: {  	s2 =	sld [smem:$0x3FD0];
	(tm) =	ssettm $0x1  }
0x9: {  	s19 =	sld [smem:$0x3FFB];
	_ =	sdelay $0x3  }
0xa: {  	_ =	strace s19  }
0xb: {  	s3 =	sld [smem:$0x3FFC];
	_ =	sdelay $0x3  }
0xc: {  	_ =	strace s3  }
0xd: {  	s3 =	sld [smem:$0x3FFD];
	_ =	sdelay $0x3  }
0xe: {  	_ =	strace s3  }
0xf: {  	_ =	strace $0x8FFFFFFF  }
0x10: {  	s20 =	sld [smem:$0x3FDB];
	_ =	sdelay $0x1  }
0x11: {  	s4 =	simm.s32 $_scs_section_size  }
0x12: {  	s5 =	simm.s32 $_size__tile_overlayer_lowered;
	s6 =	simm.s32 $_tile_overlayer_lowered  }
0x13: {  	s23 =	simm.s32 $0x1BFF;
	s22 =	sshll.u32 s6, $0x1;
	s3 =	sadd.s32 s4, s20  }
0x14: {  	s7 =	simm.s32 $0x0;
	s21 =	sshll.u32 s5, $0x1;
	s5 =	sadd.s32 s22, s3  }
0x15: {  	[timem:s7], [sflag:s23] =	dma.local [hbm:s5], s21  }
0x16: {  	_ =	swait.ge [sflag:s23], s21  }
0x17: {  	s4 =	ssub.s32 $0x0, s21;
	[sflag:s23] =	ssyncset.done $0x0  }
0x18: {  	[sflag:s23] =	ssyncadd.s32 s4;
	_ =	sdelay $0x1  }
0x19: {  	s24 =	simm.s32 $0x1B8B  }
0x1a: {  	_ =	swait.ge [sflag:s24], $0x1  }
0x1b: {  	[sflag:s24] =	ssyncset.done $0x0  }
0x1c: {  	s26 =	simm.s32 $0x1B8E;
	s25 =	sld [smem:$0x3FFE];
	[sflag:s24] =	ssyncadd.s32 $0xFFFFFFFF  }
0x1d: {  	s27 =	simm.s32 $execute0_lowered;
	[smem:$0x3FD2] =	sst s26  }
0x1e: {  	s5 =	sshll.u32 s27, $0x1;
	_ =	strace $0x80000049;
	[dreg:$0x1] =	wrdreg $0xFFFFFFFF  }
0x1f: {  	s28 =	simm.s32 $_size_execute0_lowered;
	s3 =	sadd.s32 s3, s5;
	[dreg:$0x0] =	wrdreg $0x0  }
0x20: {  	s5 =	sshll.u32 s28, $0x1;
	[dreg:$0x2] =	wrdreg s3  }
0x21: {  	[dreg:$0x3] =	wrdreg s5  }
0x22: {  	[dreg:$0x4] =	wrdreg $0xC0  }
0x23: {  	_ =	task [dreg:s7], $0x5FFFF  }
0x24: {  	[dreg:$0x1] =	wrdreg $0xFFFFFFFF  }
0x25: {  	[dreg:$0x0] =	wrdreg $0x60  }
0x26: {  	[dreg:$0x2] =	wrdreg s25  }
0x27: {  	[dreg:$0x3] =	wrdreg s2  }
0x28: {  	[dreg:$0x4] =	wrdreg $0x9  }
0x29: {  	_ =	task.clear_ibuf [dreg:s7], $0x5FFFF;
	_ =	strace $0x90000049  }
0x2a: {  	s29 =	simm.s32 $0x9;
	_ =	strace $0x8000004B  }
0x2b: {  	_ =	swait.ge [sflag:s29], $0x1  }
0x2c: {  	[sflag:s29] =	ssyncadd.s32 $0xFFFFFFFF  }
0x2d: {  	_ =	strace $0x9000004B  }
0x2e: {  	_ =	sfence  }
0x2f: {  	s30 =	sld [smem:$0x0];
	_ =	sdelay $0x2  }
0x30: {  	s31 =	sshll.u32 s1, $0xD;
	s1 =	sshrl.u32 s1, $0x2  }
0x31: {  	s3 =	sand.u32 $0x4000, s31;
	s1 =	sadd.s32 s1, s30  }
0x32: {  	s0 =	sor.u32 s3, s0;
	s1 =	sshll.u32 s1, $0x11  }
0x33: {  	s0 =	sor.u32 s1, s0  }
0x34: {  	s0 =	sadd.s32 $0x8F2B, s0  }
0x35: {  	[sflag:s0] =	ssyncadd.remote.s32 $0x1  }
0x36: {  	_ =	sfence.sel $0xFFFF  }
0x37: {  	[dreg:$0x0] =	wrdreg $0xFFFFFFFF;
	(pc) =	sbr.abs _section_cstart, $3  }
0x38: {  	[dreg:$0x1] =	wrdreg $0xFFFFFFFF  }
0x39: {  	_ =	task.clear_ibuf [dreg:s7], $0x2FFFF;
	_ =	strace $0x9FFFFFFF  }
0x3a: {  	(tm) =	ssettm $0x7FFFFFFF  }
0x3b: {  	_ =	shalt  }
tec
execute0_lowered:
.L_overlay_start_1:
0x0: {  	(tag) =	ssettag $0x1  }
0x1: {  	s0 =	stileid.u32;
	s6 =	rddreg [dreg:$0x0]  }
0x2: {  	s2 =	rddreg [dreg:$0x1];
	s5 =	srdreg.scid  }
0x3: {  	s31 =	simm.s32 $0x2;
	s13 =	simm.s32 $0x0;
	s1 =	sshll.u32 s0, $0x7  }
0x4: {  	s14 =	simm.s32 $0x0;
	s12 =	simm.s32 $0x0;
	s3 =	sand.u32 $0x380, s1  }
0x5: {  	s5 =	sshll.u32 s5, $0x4;
	s6 =	sadd.s32 $0xA00, s6;
	s4 =	ssub.s32 $0x400, s3  }
0x6: {  	s1 =	rddreg [dreg:$0x2];
	_ =	strace $0x8000004A;
	s7 =	sand.u32 $0x380, s4  }
0x7: {  	s5 =	sand.u32 $0x10, s5;
	p0 =	sne.s32 s7, $0x0;
	s7 =	simm.s32 $0x1  }
.Ltmp0:
0x8: {  	s8 =	sshrl.u32 s4, $0xA;
	s7 =	simm.s32 @!p0 $0x0;
	(pc) =	sbr.rel .LBB1_1-.Ltmp0, $4  }
0x9: {  	s9 =	sor.u32 s0, s5;
	s4 =	simm.s32 $0x1;
	s30 =	sadd.s32 s7, s8  }
0xa: {  	s11 =	smov.u32 s3;
	[sflag:s4] =	ssyncpa.u1 $0x0;
	s5 =	smul.u32 $0x32, s30  }
0xb: {  	[sflag:s31] =	ssyncpa.u1 $0x0;
	p0 =	por $0x0, $0x0;
	s7 =	sshrl.u32 s9, $0x3  }
0xc: {  	s9 =	simm.s32 $0x2000;
	s10 =	smov.u32 s7;
	s8 =	sor.u32 $0x1, s5  }
.LBB1_4:
0xd: {  	s17 =	sand.u32 $0x1F80, s14;
	s13 =	sshll.u32 s13, $0xD  }
0xe: {  	[tilespmem:s16+$0x810 ss:$0x81] =	vst.msk $0xffff, v2;
	s18 =	sshrl.u32 s14, $0x3;
	s31 =	sand.u32 $0x7, s14;
	s17 =	sadd.s32 s2, s17  }
0xf: {  	[tilespmem:s16+$0x1020 ss:$0x81] =	vst.msk $0xffff, v0;
	s18 =	sand.u32 $0xF, s18;
	s14 =	sshll.u32 s31, $0x12;
	s13 =	sadd.s32 s13, s17  }
0x10: {  	[tilespmem:s16+$0x0 ss:$0x81] =	vst.msk $0xffff, v1;
	s14 =	sor.u32 $0x400, s14;
	s13 =	sadd.s32 s18, s13  }
0x11: {  	[hbm4b:s13+s14] =	stream.strided.scatter [tilespmem:s15], [sflag:$0x2], $0x2000, s9, s14, $0x20;
	[tilespmem:$0x8080] =	vst v63  }
.LBB1_5:
0x12: {  	s15 =	sadd.s32 $0x4, s10  }
0x13: {  	s13 =	sadd.s32 $0x400, s11;
	s17 =	smov.u32 s11;
	p2 =	sgt.s32 s15, $0xC7  }
0x14: {  	s17 =	smov.u32 @p2 s13  }
0x15: {  	s15 =	smov.u32 @p2 s7;
	p2 =	sgt.s32 s17, $0x3FF  }
0x16: {  	s17 =	smov.u32 @p2 s3;
	p2 =	sne.s32 s12, s8  }
.Ltmp1:
0x17: {  	p1 =	slt.u32 s12, $0x2;
	(pc) =	sbr.rel @!p2 .LBB1_6-.Ltmp1, $4  }
0x18: {  	s16 =	simm.s32 @!p1 $0x2  }
0x19: {  	s14 =	smov.u32 s11;
	p0 =	por !p0, !p0;
	_ =	swait.ge @!p1 [sflag:s16], $0x2000  }
0x1a: {  	s13 =	smov.u32 s10;
	[sflag:s16] =	ssyncset.done @!p1 $0x0;
	s10 =	smov.u32 s15  }
0x1b: {  	s12 =	sadd.s32 $0x1, s12;
	[sflag:s16] =	ssyncadd.s32 @!p1 $0xFFFFE000;
	s11 =	smov.u32 s17  }
.LBB1_1:
0x1c: {  	p1 =	sge.u32 s12, s5  }
0x1d: {  	s15 =	sand.u32 @!p1 $0x1FFFFFF, s10  }
0x1e: {  	s16 =	smulhi.u32 @!p1 $0x147AE15, s15;
	_ =	sdelay $0x1  }
0x1f: {  	s16 =	smul.u32 @!p1 $0xC8, s16  }
0x20: {  	s17 =	sxor.u32 @!p1 $0xFFFFFFFF, s12;
	s18 =	smul.u32 @!p1 $0xC80, s11  }
0x21: {  	s31 =	sadd.s32 $0xFFFFFFFF, s12;
	s17 =	sshll.u32 @!p1 s17, $0xD;
	s15 =	ssub.s32 @!p1 s15, s16  }
0x22: {  	s16 =	sand.u32 @!p1 $0x2000, s17;
	s17 =	sadd.s32 @!p1 s6, s18;
	s15 =	sshll.u32 @!p1 s15, $0x4  }
0x23: {  	s18 =	simm.s32 @!p1 $0x6400;
	s15 =	sadd.s32 @!p1 s15, s17;
	s17 =	simm.s32 @!p1 $0x40  }
0x24: {  	[tilespmem:s16], [sflag:$0x1] =	stream.strided.gather @!p1 [hbm4b:s15+s17], $0x2000, s18, s17, $0x38;
	[tilespmem:$0x8080] =	vst v63  }
0x25: {  	p1 =	sge.u32 s31, s5  }
.Ltmp2:
0x26: {  	_ = 	snop;
	(pc) =	sbr.rel @p1 .LBB1_5-.Ltmp2, $1  }
0x27: {  	_ =	sdelay $0x3  }
0x28: {  	s15 =	simm.s32 $0x1  }
0x29: {  	_ =	swait.ge [sflag:s4], $0x2000;
	s15 =	simm.s32 @!p0 $0x0  }
0x2a: {  	[sflag:s4] =	ssyncset.done $0x0;
	s16 =	sshll.u32 s15, $0xD  }
0x2b: {  	[sflag:s4] =	ssyncadd.s32 $0xFFFFE000;
	s19 =	sor.u32 $0x20, s16  }
0x2c: {  	s15 =	smul.u32 $0x8100, s15;
	v3 =	vld [tilespmem:s19+$0x10]  }
0x2d: {  	s30 =	sand.u32 $0x1, s12;
	v2 =	vld [tilespmem:s19+$0xFFFFFFF0]  }
0x2e: {  	s16 =	smul.u32 $0x8100, s30;
	s15 =	sshrl.u32 s15, $0x2;
	v0 =	vld [tilespmem:s19+$0x0]  }
0x2f: {  	v1 =	vld [tilespmem:s19+$0xFFFFFFE0];
	s17 =	sor.u32 $0x4000, s15  }
0x30: {  	s31 =	sshrl.u32 s16, $0x2;
	s16 =	sadd.s32 $0x0, s17  }
0x31: {  	s18 =	simm.s32 $0x4;
	s19 =	sadd.s32 $0x40, s19;
	s15 =	sor.u32 $0x4000, s31;
	[tilespmem:s16+$0x1830 ss:$0x81] =	vst.msk $0xffff, v3  }
.LBB1_3:
0x32: {  	v3 =	vld [tilespmem:s19+$0x10];
	p1 =	sne.s32 s18, $0x1FC;
	[tilespmem:s16+$0x810 ss:$0x81] =	vst.msk $0xffff, v2;
	s20 =	smov.u32 s18;
	s18 =	sadd.s32 $0x4, s18  }
.Ltmp3:
0x33: {  	v2 =	vld [tilespmem:s19+$0xFFFFFFF0];
	[tilespmem:s16+$0x1020 ss:$0x81] =	vst.msk $0xffff, v0;
	(pc) =	sbr.rel @p1 .LBB1_3-.Ltmp3, $4  }
0x34: {  	v0 =	vld [tilespmem:s19+$0x0];
	[tilespmem:s16+$0x0 ss:$0x81] =	vst.msk $0xffff, v1  }
0x35: {  	s16 =	sshra.s32 s20, $0x2;
	v1 =	vld [tilespmem:s19+$0xFFFFFFE0]  }
0x36: {  	s16 =	sadd.s32 s16, s17  }
0x37: {  	s19 =	sadd.s32 $0x40, s19;
	[tilespmem:s16+$0x1830 ss:$0x81] =	vst.msk $0xffff, v3  }
.Ltmp4:
0x38: {  	_ = 	snop;
	(pc) =	sbr.rel .LBB1_4-.Ltmp4, $1  }
0x39: {  	_ =	sdelay $0x3  }
.LBB1_6:
0x3a: {  	_ =	sfence.sel $0x180000  }
0x3b: {  	s2 =	simm.s32 $0x1;
	[bflag:$0x0] =	sbarrier.arrive $0xFFFF  }
0x3c: {  	s31 =	simm.s32 $0x2;
	[sflag:s2] =	ssyncpa.u1 $0x1  }
0x3d: {  	[sflag:s31] =	ssyncpa.u1 $0x1  }
0x3e: {  	p0 =	sne.s32 s0, $0x0;
	_ =	strace $0x9000004A  }
0x3f: {  	s0 =	sadd.s32 @!p0 $0x100000, s1;
	[bflag:$0x2] =	sbarrier.arrive $0xFFFF  }
0x40: {  	[sflag:s0] =	ssyncadd.tile.s32 @!p0 $0x1;
	_ =	shalt  }
.Lfunc_end1:
_tile_overlayer_lowered:
.L_overlay_start_2:
0x41: {  	(tag) =	ssettag $0x2  }
0x42: {  	s0 =	rddreg [dreg:$0x0];
	s2 =	stileid.u32  }
0x43: {  	s1 =	rddreg [dreg:$0x1];
	p0 =	sne.s32 s2, $0x0  }
0x44: {  	s3 =	rddreg [dreg:$0x2];
	[bflag:$0x3] =	sbarrier.arrive $0xFFFF;
	s2 =	simm.s32 @!p0 $0x1C01  }
0x45: {  	[timem:s3], [sflag:s2] =	dma.local @!p0 [hbm:s0], s1  }
0x46: {  	s0 =	simm.s32 @!p0 $0x1  }
0x47: {  	_ =	swait.ge @!p0 [sflag:s0], s1  }
0x48: {  	s1 =	ssub.s32 @!p0 $0x0, s1;
	[sflag:s0] =	ssyncset.done @!p0 $0x0  }
0x49: {  	[sflag:s0] =	ssyncadd.s32 @!p0 s1  }
0x4a: {  	[bflag:$0x3] =	sbarrier.arrive $0xFFFF  }
0x4b: {  	_ =	shalt  }

</sc_bundles>
